<compile_context>
chip_gen: v7x
topology: tpu7x:2x2x1
jax: 0.10.2.dev20260603
libtpu: 0.0.44.dev20260713+nightly
codegen_flags: <defaults>
</compile_context>

<pallas_src>
import functools

import jax
import jax.numpy as jnp
from jax import lax
from jax.experimental import pallas as pl
from jax.experimental.pallas import tpu as pltpu
from jax.experimental.pallas import tpu_sc as plsc

N_NODES = 10000
D = 128
E = 320000

NC = 2
NS = 16
NW = NC * NS

B = 128
NPAD = 10240
PAD_IDX = N_NODES
NB0 = 116
NB1 = 42
NBT = NB0 + NB1
EPAD = NS * NBT * B
NPT = NPAD // NS

RB = 1024
GRID = NPAD // RB

_mesh = plsc.VectorSubcoreMesh(core_axis_name="c", subcore_axis_name="s")



@functools.partial(
    pl.kernel,
    out_type=(
        jax.ShapeDtypeStruct((NPAD,), jnp.float32),
        jax.ShapeDtypeStruct((NPAD,), jnp.float32),
    ),
    mesh=_mesh,
    scratch_types=(
        pltpu.VMEM_SHARED((NPAD,), jnp.float32),
        pltpu.VMEM((B,), jnp.int32),
        pltpu.VMEM((B,), jnp.float32),
    ),
)
def _deg_kernel(col_hbm, ones_hbm, zeros_hbm, out0, out1, acc_sh, cidx,
                ones_v):
    c = lax.axis_index("c")
    s = lax.axis_index("s")
    w = s * NC + c
    lo = s * NPT

    @pl.when(c == 0)
    def _():
        pltpu.sync_copy(ones_hbm.at[pl.ds(lo, NPT)], acc_sh.at[pl.ds(lo, NPT)])

    @pl.when(c != 0)
    def _():
        pltpu.sync_copy(zeros_hbm.at[pl.ds(lo, NPT)], acc_sh.at[pl.ds(lo, NPT)])

    pltpu.sync_copy(ones_hbm.at[pl.ds(0, B)], ones_v)
    plsc.subcore_barrier()

    nb = NS * NBT // NW
    base = w * nb * B

    def body(j, carry):
        pltpu.sync_copy(col_hbm.at[pl.ds(base + j * B, B)], cidx)
        pltpu.sync_copy(ones_v, acc_sh.at[cidx], add=True)
        return carry

    lax.fori_loop(0, nb, body, 0)
    plsc.subcore_barrier()

    @pl.when(c == 0)
    def _():
        pltpu.sync_copy(acc_sh.at[pl.ds(lo, NPT)], out0.at[pl.ds(lo, NPT)])

    @pl.when(c != 0)
    def _():
        pltpu.sync_copy(acc_sh.at[pl.ds(lo, NPT)], out1.at[pl.ds(lo, NPT)])


@functools.partial(
    pl.kernel,
    out_type=(
        jax.ShapeDtypeStruct((NPAD, D), jnp.float32),
        jax.ShapeDtypeStruct((NPAD, D), jnp.float32),
    ),
    mesh=_mesh,
    scratch_types=(
        pltpu.VMEM_SHARED((NPAD, D), jnp.float32),
        tuple(pltpu.VMEM((B,), jnp.int32) for _ in range(2)),
        tuple(pltpu.VMEM((B,), jnp.int32) for _ in range(2)),
        tuple(pltpu.VMEM((B, D), jnp.float32) for _ in range(2)),
        tuple(pltpu.SemaphoreType.DMA for _ in range(2)),
        tuple(pltpu.SemaphoreType.DMA for _ in range(2)),
    ),
)
def _agg_kernel(h_hbm, row_hbm, col_hbm, zeros_hbm, out0, out1, acc_sh,
                ridx, cidx, rows, gsems, ssems):
    c = lax.axis_index("c")
    s = lax.axis_index("s")
    w = s * NC + c
    lo = s * NPT

    @pl.when(c == 0)
    def _():
        pltpu.sync_copy(h_hbm.at[pl.ds(lo, NPT)], acc_sh.at[pl.ds(lo, NPT)])

    @pl.when(c != 0)
    def _():
        pltpu.sync_copy(zeros_hbm.at[pl.ds(lo, NPT)], acc_sh.at[pl.ds(lo, NPT)])

    plsc.subcore_barrier()

    def run_edges(base, nb):
        for b in range(2):
            pltpu.sync_copy(row_hbm.at[pl.ds(base + b * B, B)], ridx[b])
            pltpu.async_copy(h_hbm.at[ridx[b]], rows[b], gsems[b])

        def body(i, carry):
            j = i * 2
            for b in range(2):
                pltpu.sync_copy(
                    col_hbm.at[pl.ds(base + (j + b) * B, B)], cidx[b])
                pltpu.make_async_copy(
                    h_hbm.at[ridx[b]], rows[b], gsems[b]).wait()
                pltpu.sync_copy(rows[b], acc_sh.at[cidx[b]], add=True)

                @pl.when(j + b + 2 < nb)
                def _():
                    pltpu.sync_copy(
                        row_hbm.at[pl.ds(base + (j + b + 2) * B, B)], ridx[b])
                    pltpu.async_copy(h_hbm.at[ridx[b]], rows[b], gsems[b])
            return carry

        lax.fori_loop(0, nb // 2, body, 0)

    def run_edges_serial(base, nb):
        def body(j, carry):
            off = base + j * B
            pltpu.sync_copy(row_hbm.at[pl.ds(off, B)], ridx[0])
            pltpu.async_copy(h_hbm.at[ridx[0]], rows[0], gsems[0]).wait()
            pltpu.sync_copy(col_hbm.at[pl.ds(off, B)], cidx[0])
            pltpu.sync_copy(rows[0], acc_sh.at[cidx[0]], add=True)
            return carry

        lax.fori_loop(0, nb, body, 0)

    @pl.when(c == 0)
    def _():
        run_edges(s * (NB0 * B), NB0)

    @pl.when(c != 0)
    def _():
        run_edges_serial(NS * (NB0 * B) + s * (NB1 * B), NB1)

    plsc.subcore_barrier()

    @pl.when(c == 0)
    def _():
        pltpu.sync_copy(acc_sh.at[pl.ds(lo, NPT)], out0.at[pl.ds(lo, NPT)])

    @pl.when(c != 0)
    def _():
        pltpu.sync_copy(acc_sh.at[pl.ds(lo, NPT)], out1.at[pl.ds(lo, NPT)])



def _mm_body(x_ref, w_ref, o_ref):
    o_ref[...] = jnp.dot(x_ref[...], w_ref[...],
                         preferred_element_type=jnp.float32)


_mm_call = pl.pallas_call(
    _mm_body,
    grid=(GRID,),
    in_specs=[
        pl.BlockSpec((RB, D), lambda i: (i, 0)),
        pl.BlockSpec((D, D), lambda i: (0, 0)),
    ],
    out_specs=pl.BlockSpec((RB, D), lambda i: (i, 0)),
    out_shape=jax.ShapeDtypeStruct((NPAD, D), jnp.float32),
)


def _scale_body(d0_ref, d1_ref, xw_ref, dinv_ref, h_ref):
    deg = d0_ref[...] + d1_ref[...]
    dinv = lax.rsqrt(deg)
    dinv_ref[...] = dinv
    h_ref[...] = xw_ref[...] * dinv[:, None]


_scale_call = pl.pallas_call(
    _scale_body,
    grid=(GRID,),
    in_specs=[
        pl.BlockSpec((RB,), lambda i: (i,)),
        pl.BlockSpec((RB,), lambda i: (i,)),
        pl.BlockSpec((RB, D), lambda i: (i, 0)),
    ],
    out_specs=[
        pl.BlockSpec((RB,), lambda i: (i,)),
        pl.BlockSpec((RB, D), lambda i: (i, 0)),
    ],
    out_shape=[
        jax.ShapeDtypeStruct((NPAD,), jnp.float32),
        jax.ShapeDtypeStruct((NPAD, D), jnp.float32),
    ],
)


def _fused_body(a0_ref, a1_ref, dinv_ref, b_ref, w_ref, o_ref):
    dinv = dinv_ref[...]
    t = (a0_ref[...] + a1_ref[...]) * dinv[:, None] + b_ref[...]
    t = jnp.maximum(t, 0.0)
    z = jnp.dot(t, w_ref[...], preferred_element_type=jnp.float32)
    o_ref[...] = z * dinv[:, None]


_fused_call = pl.pallas_call(
    _fused_body,
    grid=(GRID,),
    in_specs=[
        pl.BlockSpec((RB, D), lambda i: (i, 0)),
        pl.BlockSpec((RB, D), lambda i: (i, 0)),
        pl.BlockSpec((RB,), lambda i: (i,)),
        pl.BlockSpec((1, D), lambda i: (0, 0)),
        pl.BlockSpec((D, D), lambda i: (0, 0)),
    ],
    out_specs=pl.BlockSpec((RB, D), lambda i: (i, 0)),
    out_shape=jax.ShapeDtypeStruct((NPAD, D), jnp.float32),
)


def _final_body(a0_ref, a1_ref, dinv_ref, b_ref, o_ref):
    o_ref[...] = ((a0_ref[...] + a1_ref[...]) * dinv_ref[...][:, None]
                  + b_ref[...])


_final_call = pl.pallas_call(
    _final_body,
    grid=(GRID,),
    in_specs=[
        pl.BlockSpec((RB, D), lambda i: (i, 0)),
        pl.BlockSpec((RB, D), lambda i: (i, 0)),
        pl.BlockSpec((RB,), lambda i: (i,)),
        pl.BlockSpec((1, D), lambda i: (0, 0)),
    ],
    out_specs=pl.BlockSpec((RB, D), lambda i: (i, 0)),
    out_shape=jax.ShapeDtypeStruct((NPAD, D), jnp.float32),
)



def kernel(x, edge_index, W1, b1, W2, b2):
    row = edge_index[0].astype(jnp.int32)
    col = edge_index[1].astype(jnp.int32)
    pad = EPAD - E
    rowp = jnp.concatenate([row, jnp.full((pad,), PAD_IDX, jnp.int32)])
    colp = jnp.concatenate([col, jnp.full((pad,), PAD_IDX, jnp.int32)])
    xp = jnp.pad(x, ((0, NPAD - N_NODES), (0, 0)))
    zeros2d = jnp.zeros((NPAD, D), jnp.float32)
    ones1d = jnp.ones((NPAD,), jnp.float32)
    zeros1d = jnp.zeros((NPAD,), jnp.float32)
    b1r = b1.reshape(1, D)
    b2r = b2.reshape(1, D)

    deg0, deg1 = _deg_kernel(colp, ones1d, zeros1d)
    xw1 = _mm_call(xp, W1)
    dinv, h1s = _scale_call(deg0, deg1, xw1)

    a0, a1 = _agg_kernel(h1s, rowp, colp, zeros2d)
    h2s = _fused_call(a0, a1, dinv, b1r, W2)
    c0, c1 = _agg_kernel(h2s, rowp, colp, zeros2d)
    out = _final_call(c0, c1, dinv, b2r)
    return out[:N_NODES]

# --- scband reference (transcript-rebuilt; emitter-appended) ---
"""Pipeline reference for scband-gcn-66924180407030 (READ-ONLY COPY).

The authoritative reference and input builder live on the scoring server;
editing this copy changes nothing except your own understanding.
"""

import jax, jax.numpy as jnp
import numpy as np

N_NODES = 10000
N_EDGES = 320000
D_IN = 128
D_HID = 128
D_OUT = 128


def setup_inputs(seed: int = 0) -> dict:
    key = jax.random.key(seed)
    k1, k2, k3, k4 = jax.random.split(key, 4)
    x = jax.random.normal(k1, (N_NODES, D_IN), dtype=jnp.float32)
    edge_index = jax.random.randint(k2, (2, N_EDGES), 0, N_NODES, dtype=jnp.int64)
    # Glorot-style init for GCNConv weights
    s1 = (6.0 / (D_IN + D_HID)) ** 0.5
    s2 = (6.0 / (D_HID + D_OUT)) ** 0.5
    W1 = jax.random.uniform(k3, (D_IN, D_HID), minval=-s1, maxval=s1, dtype=jnp.float32)
    W2 = jax.random.uniform(k4, (D_HID, D_OUT), minval=-s2, maxval=s2, dtype=jnp.float32)
    b1 = jnp.zeros((D_HID,), dtype=jnp.float32)
    b2 = jnp.zeros((D_OUT,), dtype=jnp.float32)
    return {"x": x, "edge_index": edge_index, "W1": W1, "b1": b1, "W2": W2, "b2": b2}


def _gcn_conv(x, row, col, W, b, num_nodes):
    # x' = D^{-1/2} (A + I) D^{-1/2} X W + b  (GCNConv with self-loops)
    x = x @ W
    loop = jnp.arange(num_nodes, dtype=row.dtype)
    row_sl = jnp.concatenate([row, loop])
    col_sl = jnp.concatenate([col, loop])
    deg = jnp.zeros((num_nodes,), dtype=x.dtype).at[col_sl].add(1.0)
    dinv = jnp.where(deg > 0, deg ** -0.5, 0.0)
    norm = dinv[row_sl] * dinv[col_sl]
    msg = x[row_sl] * norm[:, None]
    out = jnp.zeros_like(x).at[col_sl].add(msg)
    return out + b


def reference(x, edge_index, W1, b1, W2, b2):
    row = edge_index[0]
    col = edge_index[1]
    h = _gcn_conv(x, row, col, W1, b1, N_NODES)
    h = jax.nn.relu(h)
    # dropout is identity in eval mode (training=False)
    out = _gcn_conv(h, row, col, W2, b2, N_NODES)
    return out

if __name__ == "__main__":
    import jax
    _d = setup_inputs()
    print(jax.jit(kernel)(*tuple(_d.values())))

</pallas_src>

<mosaic_0001>
#map = affine_map<(d0, d1) -> (0)>
module attributes {stable_mosaic.version = 14 : i64} {
  func.func @_deg_kernel(%arg0: i32, %arg1: i32, %arg2: memref<323584xi32, #tpu.memory_space<hbm>>, %arg3: memref<10240xf32, #tpu.memory_space<hbm>>, %arg4: memref<10240xf32, #tpu.memory_space<hbm>>, %arg5: memref<10240xf32, #tpu.memory_space<hbm>>, %arg6: memref<10240xf32, #tpu.memory_space<hbm>>, %arg7: memref<10240xf32, #tpu.memory_space<vmem_shared>>, %arg8: memref<128xi32, #tpu.memory_space<vmem>>, %arg9: memref<128xf32, #tpu.memory_space<vmem>>) attributes {dimension_semantics = [#tpu.dimension_semantics<core_parallel>, #tpu.dimension_semantics<subcore_parallel>], iteration_bounds = array<i64: 2, 16>, scalar_prefetch = 0 : i64, scratch_operands = 3 : i64, tpu.core_type = #tpu.core_type<sc_vector_subcore>, window_params = [{transform_indices = #map}, {transform_indices = #map}, {transform_indices = #map}, {transform_indices = #map}, {transform_indices = #map}]} {
    %mul3A = arith.constant 2 : i32
    %mul3A_0 = arith.muli %arg1, %mul3A : i32
    %add3A = arith.addi %mul3A_0, %arg0 : i32
    %mul3A_1 = arith.constant 640 : i32
    %mul3A_2 = arith.muli %arg1, %mul3A_1 : i32
    %eq3A = arith.constant 0 : i32
    %eq3A_3 = arith.cmpi eq, %arg0, %eq3A : i32
    %convert_element_type3A = arith.extui %eq3A_3 : i1 to i32
    %cond3A = arith.constant 0 : i32
    %cond3A_4 = arith.cmpi ne, %convert_element_type3A, %cond3A : i32
    scf.if %cond3A_4 {
      "tpu.region"() ({
        %run_scoped3A = tpu.sem_alloc : memref<!tpu.dma_semaphore, #tpu.memory_space<semaphore_mem>>
        %dma_start3A = tpu.memref_slice %arg7[%mul3A_2] : memref<10240xf32, #tpu.memory_space<vmem_shared>> -> memref<640xf32, #tpu.memory_space<vmem_shared>>
        %dma_start3A_29 = tpu.memref_slice %arg3[%mul3A_2] : memref<10240xf32, #tpu.memory_space<hbm>> -> memref<640xf32, #tpu.memory_space<hbm>>
        tpu.enqueue_dma source(%dma_start3A_29 : memref<640xf32, #tpu.memory_space<hbm>>) target(%dma_start3A : memref<640xf32, #tpu.memory_space<vmem_shared>>) target_semaphore(%run_scoped3A : memref<!tpu.dma_semaphore, #tpu.memory_space<semaphore_mem>>)
        %dma_wait3A = tpu.memref_slice %arg7[%mul3A_2] : memref<10240xf32, #tpu.memory_space<vmem_shared>> -> memref<640xf32, #tpu.memory_space<vmem_shared>>
        %dma_wait3A_30 = tpu.memref_slice %arg3[%mul3A_2] : memref<10240xf32, #tpu.memory_space<hbm>> -> memref<640xf32, #tpu.memory_space<hbm>>
        tpu.wait_dma2 semaphore(%run_scoped3A : memref<!tpu.dma_semaphore, #tpu.memory_space<semaphore_mem>>) src(%dma_wait3A_30 : memref<640xf32, #tpu.memory_space<hbm>>) dst(%dma_wait3A : memref<640xf32, #tpu.memory_space<vmem_shared>>)
        tpu.yield
      }) : () -> ()
    } else {
    }
    %ne3A = arith.constant 0 : i32
    %ne3A_5 = arith.cmpi ne, %arg0, %ne3A : i32
    %convert_element_type3A_6 = arith.extui %ne3A_5 : i1 to i32
    %cond3A_7 = arith.constant 0 : i32
    %cond3A_8 = arith.cmpi ne, %convert_element_type3A_6, %cond3A_7 : i32
    scf.if %cond3A_8 {
      "tpu.region"() ({
        %run_scoped3A = tpu.sem_alloc : memref<!tpu.dma_semaphore, #tpu.memory_space<semaphore_mem>>
        %dma_start3A = tpu.memref_slice %arg7[%mul3A_2] : memref<10240xf32, #tpu.memory_space<vmem_shared>> -> memref<640xf32, #tpu.memory_space<vmem_shared>>
        %dma_start3A_29 = tpu.memref_slice %arg4[%mul3A_2] : memref<10240xf32, #tpu.memory_space<hbm>> -> memref<640xf32, #tpu.memory_space<hbm>>
        tpu.enqueue_dma source(%dma_start3A_29 : memref<640xf32, #tpu.memory_space<hbm>>) target(%dma_start3A : memref<640xf32, #tpu.memory_space<vmem_shared>>) target_semaphore(%run_scoped3A : memref<!tpu.dma_semaphore, #tpu.memory_space<semaphore_mem>>)
        %dma_wait3A = tpu.memref_slice %arg7[%mul3A_2] : memref<10240xf32, #tpu.memory_space<vmem_shared>> -> memref<640xf32, #tpu.memory_space<vmem_shared>>
        %dma_wait3A_30 = tpu.memref_slice %arg4[%mul3A_2] : memref<10240xf32, #tpu.memory_space<hbm>> -> memref<640xf32, #tpu.memory_space<hbm>>
        tpu.wait_dma2 semaphore(%run_scoped3A : memref<!tpu.dma_semaphore, #tpu.memory_space<semaphore_mem>>) src(%dma_wait3A_30 : memref<640xf32, #tpu.memory_space<hbm>>) dst(%dma_wait3A : memref<640xf32, #tpu.memory_space<vmem_shared>>)
        tpu.yield
      }) : () -> ()
    } else {
    }
    "tpu.region"() ({
      %run_scoped3A = tpu.sem_alloc : memref<!tpu.dma_semaphore, #tpu.memory_space<semaphore_mem>>
      %dma_start3A = arith.constant 0 : i32
      %dma_start3A_29 = tpu.memref_slice %arg3[%dma_start3A] : memref<10240xf32, #tpu.memory_space<hbm>> -> memref<128xf32, #tpu.memory_space<hbm>>
      %dma_start3A_30 = arith.constant 0 : i32
      %dma_start3A_31 = tpu.memref_slice %arg3[%dma_start3A_30] : memref<10240xf32, #tpu.memory_space<hbm>> -> memref<128xf32, #tpu.memory_space<hbm>>
      tpu.enqueue_dma source(%dma_start3A_31 : memref<128xf32, #tpu.memory_space<hbm>>) target(%arg9 : memref<128xf32, #tpu.memory_space<vmem>>) target_semaphore(%run_scoped3A : memref<!tpu.dma_semaphore, #tpu.memory_space<semaphore_mem>>)
      %dma_wait3A = arith.constant 0 : i32
      %dma_wait3A_32 = tpu.memref_slice %arg3[%dma_wait3A] : memref<10240xf32, #tpu.memory_space<hbm>> -> memref<128xf32, #tpu.memory_space<hbm>>
      %dma_wait3A_33 = arith.constant 0 : i32
      %dma_wait3A_34 = tpu.memref_slice %arg3[%dma_wait3A_33] : memref<10240xf32, #tpu.memory_space<hbm>> -> memref<128xf32, #tpu.memory_space<hbm>>
      tpu.wait_dma2 semaphore(%run_scoped3A : memref<!tpu.dma_semaphore, #tpu.memory_space<semaphore_mem>>) src(%dma_wait3A_34 : memref<128xf32, #tpu.memory_space<hbm>>) dst(%arg9 : memref<128xf32, #tpu.memory_space<vmem>>)
      tpu.yield
    }) : () -> ()
    %barrier3A = arith.constant 0 : index
    tpu.barrier barrier_id(%barrier3A)
    %mul3A_9 = arith.constant 79 : i32
    %mul3A_10 = arith.muli %add3A, %mul3A_9 : i32
    %mul3A_11 = arith.constant 128 : i32
    %mul3A_12 = arith.muli %mul3A_10, %mul3A_11 : i32
    %scan3A = arith.constant 0 : i32
    %scan3A_13 = arith.constant 0 : i32
    %scan3A_14 = arith.constant 79 : i32
    %scan3A_15 = arith.addi %scan3A_13, %scan3A_14 : i32
    %scan3A_16 = arith.constant 1 : i32
    scf.for %scan3A_29 = %scan3A_13 to %scan3A_15 step %scan3A_16  : i32 {
      %mul3A_30 = arith.constant 128 : i32
      %mul3A_31 = arith.muli %scan3A_29, %mul3A_30 : i32
      %add3A_32 = arith.addi %mul3A_12, %mul3A_31 : i32
      "tpu.region"() ({
        %run_scoped3A = tpu.sem_alloc : memref<!tpu.dma_semaphore, #tpu.memory_space<semaphore_mem>>
        %dma_start3A = tpu.memref_slice %arg2[%add3A_32] : memref<323584xi32, #tpu.memory_space<hbm>> -> memref<128xi32, #tpu.memory_space<hbm>>
        %dma_start3A_33 = tpu.memref_slice %arg2[%add3A_32] : memref<323584xi32, #tpu.memory_space<hbm>> -> memref<128xi32, #tpu.memory_space<hbm>>
        tpu.enqueue_dma source(%dma_start3A_33 : memref<128xi32, #tpu.memory_space<hbm>>) target(%arg8 : memref<128xi32, #tpu.memory_space<vmem>>) target_semaphore(%run_scoped3A : memref<!tpu.dma_semaphore, #tpu.memory_space<semaphore_mem>>)
        %dma_wait3A = tpu.memref_slice %arg2[%add3A_32] : memref<323584xi32, #tpu.memory_space<hbm>> -> memref<128xi32, #tpu.memory_space<hbm>>
        %dma_wait3A_34 = tpu.memref_slice %arg2[%add3A_32] : memref<323584xi32, #tpu.memory_space<hbm>> -> memref<128xi32, #tpu.memory_space<hbm>>
        tpu.wait_dma2 semaphore(%run_scoped3A : memref<!tpu.dma_semaphore, #tpu.memory_space<semaphore_mem>>) src(%dma_wait3A_34 : memref<128xi32, #tpu.memory_space<hbm>>) dst(%arg8 : memref<128xi32, #tpu.memory_space<vmem>>)
        tpu.yield
      }) : () -> ()
      "tpu.region"() ({
        %run_scoped3A = tpu.sem_alloc : memref<!tpu.dma_semaphore, #tpu.memory_space<semaphore_mem>>
        %dma_start3A = arith.constant 0 : i32
        %dma_start3A_33 = tpu.memref_slice %arg7[%dma_start3A] : memref<10240xf32, #tpu.memory_space<vmem_shared>> -> memref<10240xf32, #tpu.memory_space<vmem_shared>>
        tpu.enqueue_indirect_dma source(%arg9 : memref<128xf32, #tpu.memory_space<vmem>>) target(%dma_start3A_33 : memref<10240xf32, #tpu.memory_space<vmem_shared>>) offsets(%arg8 : memref<128xi32, #tpu.memory_space<vmem>>) semaphore(%run_scoped3A : memref<!tpu.dma_semaphore, #tpu.memory_space<semaphore_mem>>) {add = true}
        %dma_wait3A = arith.constant 0 : i32
        %dma_wait3A_34 = tpu.memref_slice %arg7[%dma_wait3A] : memref<10240xf32, #tpu.memory_space<vmem_shared>> -> memref<10240xf32, #tpu.memory_space<vmem_shared>>
        tpu.wait_indirect_dma semaphore(%run_scoped3A : memref<!tpu.dma_semaphore, #tpu.memory_space<semaphore_mem>>) src(%arg9 : memref<128xf32, #tpu.memory_space<vmem>>) dst(%dma_wait3A_34 : memref<10240xf32, #tpu.memory_space<vmem_shared>>)
        tpu.yield
      }) : () -> ()
    }
    %scan3A_17 = arith.constant 79 : i32
    %barrier3A_18 = arith.constant 0 : index
    tpu.barrier barrier_id(%barrier3A_18)
    %eq3A_19 = arith.constant 0 : i32
    %eq3A_20 = arith.cmpi eq, %arg0, %eq3A_19 : i32
    %convert_element_type3A_21 = arith.extui %eq3A_20 : i1 to i32
    %cond3A_22 = arith.constant 0 : i32
    %cond3A_23 = arith.cmpi ne, %convert_element_type3A_21, %cond3A_22 : i32
    scf.if %cond3A_23 {
      "tpu.region"() ({
        %run_scoped3A = tpu.sem_alloc : memref<!tpu.dma_semaphore, #tpu.memory_space<semaphore_mem>>
        %dma_start3A = tpu.memref_slice %arg5[%mul3A_2] : memref<10240xf32, #tpu.memory_space<hbm>> -> memref<640xf32, #tpu.memory_space<hbm>>
        %dma_start3A_29 = tpu.memref_slice %arg7[%mul3A_2] : memref<10240xf32, #tpu.memory_space<vmem_shared>> -> memref<640xf32, #tpu.memory_space<vmem_shared>>
        tpu.enqueue_dma source(%dma_start3A_29 : memref<640xf32, #tpu.memory_space<vmem_shared>>) target(%dma_start3A : memref<640xf32, #tpu.memory_space<hbm>>) target_semaphore(%run_scoped3A : memref<!tpu.dma_semaphore, #tpu.memory_space<semaphore_mem>>)
        %dma_wait3A = tpu.memref_slice %arg5[%mul3A_2] : memref<10240xf32, #tpu.memory_space<hbm>> -> memref<640xf32, #tpu.memory_space<hbm>>
        %dma_wait3A_30 = tpu.memref_slice %arg7[%mul3A_2] : memref<10240xf32, #tpu.memory_space<vmem_shared>> -> memref<640xf32, #tpu.memory_space<vmem_shared>>
        tpu.wait_dma2 semaphore(%run_scoped3A : memref<!tpu.dma_semaphore, #tpu.memory_space<semaphore_mem>>) src(%dma_wait3A_30 : memref<640xf32, #tpu.memory_space<vmem_shared>>) dst(%dma_wait3A : memref<640xf32, #tpu.memory_space<hbm>>)
        tpu.yield
      }) : () -> ()
    } else {
    }
    %ne3A_24 = arith.constant 0 : i32
    %ne3A_25 = arith.cmpi ne, %arg0, %ne3A_24 : i32
    %convert_element_type3A_26 = arith.extui %ne3A_25 : i1 to i32
    %cond3A_27 = arith.constant 0 : i32
    %cond3A_28 = arith.cmpi ne, %convert_element_type3A_26, %cond3A_27 : i32
    scf.if %cond3A_28 {
      "tpu.region"() ({
        %run_scoped3A = tpu.sem_alloc : memref<!tpu.dma_semaphore, #tpu.memory_space<semaphore_mem>>
        %dma_start3A = tpu.memref_slice %arg6[%mul3A_2] : memref<10240xf32, #tpu.memory_space<hbm>> -> memref<640xf32, #tpu.memory_space<hbm>>
        %dma_start3A_29 = tpu.memref_slice %arg7[%mul3A_2] : memref<10240xf32, #tpu.memory_space<vmem_shared>> -> memref<640xf32, #tpu.memory_space<vmem_shared>>
        tpu.enqueue_dma source(%dma_start3A_29 : memref<640xf32, #tpu.memory_space<vmem_shared>>) target(%dma_start3A : memref<640xf32, #tpu.memory_space<hbm>>) target_semaphore(%run_scoped3A : memref<!tpu.dma_semaphore, #tpu.memory_space<semaphore_mem>>)
        %dma_wait3A = tpu.memref_slice %arg6[%mul3A_2] : memref<10240xf32, #tpu.memory_space<hbm>> -> memref<640xf32, #tpu.memory_space<hbm>>
        %dma_wait3A_30 = tpu.memref_slice %arg7[%mul3A_2] : memref<10240xf32, #tpu.memory_space<vmem_shared>> -> memref<640xf32, #tpu.memory_space<vmem_shared>>
        tpu.wait_dma2 semaphore(%run_scoped3A : memref<!tpu.dma_semaphore, #tpu.memory_space<semaphore_mem>>) src(%dma_wait3A_30 : memref<640xf32, #tpu.memory_space<vmem_shared>>) dst(%dma_wait3A : memref<640xf32, #tpu.memory_space<hbm>>)
        tpu.yield
      }) : () -> ()
    } else {
    }
    return
  }
}

#map = affine_map<(d0, d1) -> (0, 0)>
#map1 = affine_map<(d0, d1) -> (0)>
module attributes {stable_mosaic.version = 14 : i64} {
  func.func @_agg_kernel(%arg0: i32, %arg1: i32, %arg2: memref<10240x128xf32, #tpu.memory_space<hbm>>, %arg3: memref<323584xi32, #tpu.memory_space<hbm>>, %arg4: memref<323584xi32, #tpu.memory_space<hbm>>, %arg5: memref<10240x128xf32, #tpu.memory_space<hbm>>, %arg6: memref<10240x128xf32, #tpu.memory_space<hbm>>, %arg7: memref<10240x128xf32, #tpu.memory_space<hbm>>, %arg8: memref<10240x128xf32, #tpu.memory_space<vmem_shared>>, %arg9: memref<128xi32, #tpu.memory_space<vmem>>, %arg10: memref<128xi32, #tpu.memory_space<vmem>>, %arg11: memref<128xi32, #tpu.memory_space<vmem>>, %arg12: memref<128xi32, #tpu.memory_space<vmem>>, %arg13: memref<128x128xf32, #tpu.memory_space<vmem>>, %arg14: memref<128x128xf32, #tpu.memory_space<vmem>>, %arg15: memref<!tpu.dma_semaphore, #tpu.memory_space<semaphore_mem>>, %arg16: memref<!tpu.dma_semaphore, #tpu.memory_space<semaphore_mem>>, %arg17: memref<!tpu.dma_semaphore, #tpu.memory_space<semaphore_mem>>, %arg18: memref<!tpu.dma_semaphore, #tpu.memory_space<semaphore_mem>>) attributes {dimension_semantics = [#tpu.dimension_semantics<core_parallel>, #tpu.dimension_semantics<subcore_parallel>], iteration_bounds = array<i64: 2, 16>, scalar_prefetch = 0 : i64, scratch_operands = 11 : i64, tpu.core_type = #tpu.core_type<sc_vector_subcore>, window_params = [{transform_indices = #map}, {transform_indices = #map1}, {transform_indices = #map1}, {transform_indices = #map}, {transform_indices = #map}, {transform_indices = #map}]} {
    %mul3A = arith.constant 2 : i32
    %mul3A_0 = arith.muli %arg1, %mul3A : i32
    %add3A = arith.addi %mul3A_0, %arg0 : i32
    %mul3A_1 = arith.constant 640 : i32
    %mul3A_2 = arith.muli %arg1, %mul3A_1 : i32
    %eq3A = arith.constant 0 : i32
    %eq3A_3 = arith.cmpi eq, %arg0, %eq3A : i32
    %convert_element_type3A = arith.extui %eq3A_3 : i1 to i32
    %cond3A = arith.constant 0 : i32
    %cond3A_4 = arith.cmpi ne, %convert_element_type3A, %cond3A : i32
    scf.if %cond3A_4 {
      "tpu.region"() ({
        %run_scoped3A = tpu.sem_alloc : memref<!tpu.dma_semaphore, #tpu.memory_space<semaphore_mem>>
        %dma_start3A = arith.constant 0 : i32
        %dma_start3A_30 = tpu.memref_slice %arg8[%mul3A_2, %dma_start3A] : memref<10240x128xf32, #tpu.memory_space<vmem_shared>> -> memref<640x128xf32, #tpu.memory_space<vmem_shared>>
        %dma_start3A_31 = arith.constant 0 : i32
        %dma_start3A_32 = tpu.memref_slice %arg2[%mul3A_2, %dma_start3A_31] : memref<10240x128xf32, #tpu.memory_space<hbm>> -> memref<640x128xf32, #tpu.memory_space<hbm>>
        tpu.enqueue_dma source(%dma_start3A_32 : memref<640x128xf32, #tpu.memory_space<hbm>>) target(%dma_start3A_30 : memref<640x128xf32, #tpu.memory_space<vmem_shared>>) target_semaphore(%run_scoped3A : memref<!tpu.dma_semaphore, #tpu.memory_space<semaphore_mem>>)
        %dma_wait3A = arith.constant 0 : i32
        %dma_wait3A_33 = tpu.memref_slice %arg8[%mul3A_2, %dma_wait3A] : memref<10240x128xf32, #tpu.memory_space<vmem_shared>> -> memref<640x128xf32, #tpu.memory_space<vmem_shared>>
        %dma_wait3A_34 = arith.constant 0 : i32
        %dma_wait3A_35 = tpu.memref_slice %arg2[%mul3A_2, %dma_wait3A_34] : memref<10240x128xf32, #tpu.memory_space<hbm>> -> memref<640x128xf32, #tpu.memory_space<hbm>>
        tpu.wait_dma2 semaphore(%run_scoped3A : memref<!tpu.dma_semaphore, #tpu.memory_space<semaphore_mem>>) src(%dma_wait3A_35 : memref<640x128xf32, #tpu.memory_space<hbm>>) dst(%dma_wait3A_33 : memref<640x128xf32, #tpu.memory_space<vmem_shared>>)
        tpu.yield
      }) : () -> ()
    } else {
    }
    %ne3A = arith.constant 0 : i32
    %ne3A_5 = arith.cmpi ne, %arg0, %ne3A : i32
    %convert_element_type3A_6 = arith.extui %ne3A_5 : i1 to i32
    %cond3A_7 = arith.constant 0 : i32
    %cond3A_8 = arith.cmpi ne, %convert_element_type3A_6, %cond3A_7 : i32
    scf.if %cond3A_8 {
      "tpu.region"() ({
        %run_scoped3A = tpu.sem_alloc : memref<!tpu.dma_semaphore, #tpu.memory_space<semaphore_mem>>
        %dma_start3A = arith.constant 0 : i32
        %dma_start3A_30 = tpu.memref_slice %arg8[%mul3A_2, %dma_start3A] : memref<10240x128xf32, #tpu.memory_space<vmem_shared>> -> memref<640x128xf32, #tpu.memory_space<vmem_shared>>
        %dma_start3A_31 = arith.constant 0 : i32
        %dma_start3A_32 = tpu.memref_slice %arg5[%mul3A_2, %dma_start3A_31] : memref<10240x128xf32, #tpu.memory_space<hbm>> -> memref<640x128xf32, #tpu.memory_space<hbm>>
        tpu.enqueue_dma source(%dma_start3A_32 : memref<640x128xf32, #tpu.memory_space<hbm>>) target(%dma_start3A_30 : memref<640x128xf32, #tpu.memory_space<vmem_shared>>) target_semaphore(%run_scoped3A : memref<!tpu.dma_semaphore, #tpu.memory_space<semaphore_mem>>)
        %dma_wait3A = arith.constant 0 : i32
        %dma_wait3A_33 = tpu.memref_slice %arg8[%mul3A_2, %dma_wait3A] : memref<10240x128xf32, #tpu.memory_space<vmem_shared>> -> memref<640x128xf32, #tpu.memory_space<vmem_shared>>
        %dma_wait3A_34 = arith.constant 0 : i32
        %dma_wait3A_35 = tpu.memref_slice %arg5[%mul3A_2, %dma_wait3A_34] : memref<10240x128xf32, #tpu.memory_space<hbm>> -> memref<640x128xf32, #tpu.memory_space<hbm>>
        tpu.wait_dma2 semaphore(%run_scoped3A : memref<!tpu.dma_semaphore, #tpu.memory_space<semaphore_mem>>) src(%dma_wait3A_35 : memref<640x128xf32, #tpu.memory_space<hbm>>) dst(%dma_wait3A_33 : memref<640x128xf32, #tpu.memory_space<vmem_shared>>)
        tpu.yield
      }) : () -> ()
    } else {
    }
    %barrier3A = arith.constant 0 : index
    tpu.barrier barrier_id(%barrier3A)
    %eq3A_9 = arith.constant 0 : i32
    %eq3A_10 = arith.cmpi eq, %arg0, %eq3A_9 : i32
    %convert_element_type3A_11 = arith.extui %eq3A_10 : i1 to i32
    %cond3A_12 = arith.constant 0 : i32
    %cond3A_13 = arith.cmpi ne, %convert_element_type3A_11, %cond3A_12 : i32
    scf.if %cond3A_13 {
      %mul3A_30 = arith.constant 14848 : i32
      %mul3A_31 = arith.muli %arg1, %mul3A_30 : i32
      %add3A_32 = arith.constant 0 : i32
      %add3A_33 = arith.addi %mul3A_31, %add3A_32 : i32
      "tpu.region"() ({
        %run_scoped3A = tpu.sem_alloc : memref<!tpu.dma_semaphore, #tpu.memory_space<semaphore_mem>>
        %dma_start3A_46 = tpu.memref_slice %arg3[%add3A_33] : memref<323584xi32, #tpu.memory_space<hbm>> -> memref<128xi32, #tpu.memory_space<hbm>>
        %dma_start3A_47 = tpu.memref_slice %arg3[%add3A_33] : memref<323584xi32, #tpu.memory_space<hbm>> -> memref<128xi32, #tpu.memory_space<hbm>>
        tpu.enqueue_dma source(%dma_start3A_47 : memref<128xi32, #tpu.memory_space<hbm>>) target(%arg9 : memref<128xi32, #tpu.memory_space<vmem>>) target_semaphore(%run_scoped3A : memref<!tpu.dma_semaphore, #tpu.memory_space<semaphore_mem>>)
        %dma_wait3A = tpu.memref_slice %arg3[%add3A_33] : memref<323584xi32, #tpu.memory_space<hbm>> -> memref<128xi32, #tpu.memory_space<hbm>>
        %dma_wait3A_48 = tpu.memref_slice %arg3[%add3A_33] : memref<323584xi32, #tpu.memory_space<hbm>> -> memref<128xi32, #tpu.memory_space<hbm>>
        tpu.wait_dma2 semaphore(%run_scoped3A : memref<!tpu.dma_semaphore, #tpu.memory_space<semaphore_mem>>) src(%dma_wait3A_48 : memref<128xi32, #tpu.memory_space<hbm>>) dst(%arg9 : memref<128xi32, #tpu.memory_space<vmem>>)
        tpu.yield
      }) : () -> ()
      %dma_start3A = arith.constant 0 : i32
      %dma_start3A_34 = arith.constant 0 : i32
      %dma_start3A_35 = tpu.memref_slice %arg2[%dma_start3A, %dma_start3A_34] : memref<10240x128xf32, #tpu.memory_space<hbm>> -> memref<10240x128xf32, #tpu.memory_space<hbm>>
      tpu.enqueue_indirect_dma source(%dma_start3A_35 : memref<10240x128xf32, #tpu.memory_space<hbm>>) target(%arg13 : memref<128x128xf32, #tpu.memory_space<vmem>>) offsets(%arg9 : memref<128xi32, #tpu.memory_space<vmem>>) semaphore(%arg15 : memref<!tpu.dma_semaphore, #tpu.memory_space<semaphore_mem>>)
      %add3A_36 = arith.constant 128 : i32
      %add3A_37 = arith.addi %mul3A_31, %add3A_36 : i32
      "tpu.region"() ({
        %run_scoped3A = tpu.sem_alloc : memref<!tpu.dma_semaphore, #tpu.memory_space<semaphore_mem>>
        %dma_start3A_46 = tpu.memref_slice %arg3[%add3A_37] : memref<323584xi32, #tpu.memory_space<hbm>> -> memref<128xi32, #tpu.memory_space<hbm>>
        %dma_start3A_47 = tpu.memref_slice %arg3[%add3A_37] : memref<323584xi32, #tpu.memory_space<hbm>> -> memref<128xi32, #tpu.memory_space<hbm>>
        tpu.enqueue_dma source(%dma_start3A_47 : memref<128xi32, #tpu.memory_space<hbm>>) target(%arg10 : memref<128xi32, #tpu.memory_space<vmem>>) target_semaphore(%run_scoped3A : memref<!tpu.dma_semaphore, #tpu.memory_space<semaphore_mem>>)
        %dma_wait3A = tpu.memref_slice %arg3[%add3A_37] : memref<323584xi32, #tpu.memory_space<hbm>> -> memref<128xi32, #tpu.memory_space<hbm>>
        %dma_wait3A_48 = tpu.memref_slice %arg3[%add3A_37] : memref<323584xi32, #tpu.memory_space<hbm>> -> memref<128xi32, #tpu.memory_space<hbm>>
        tpu.wait_dma2 semaphore(%run_scoped3A : memref<!tpu.dma_semaphore, #tpu.memory_space<semaphore_mem>>) src(%dma_wait3A_48 : memref<128xi32, #tpu.memory_space<hbm>>) dst(%arg10 : memref<128xi32, #tpu.memory_space<vmem>>)
        tpu.yield
      }) : () -> ()
      %dma_start3A_38 = arith.constant 0 : i32
      %dma_start3A_39 = arith.constant 0 : i32
      %dma_start3A_40 = tpu.memref_slice %arg2[%dma_start3A_38, %dma_start3A_39] : memref<10240x128xf32, #tpu.memory_space<hbm>> -> memref<10240x128xf32, #tpu.memory_space<hbm>>
      tpu.enqueue_indirect_dma source(%dma_start3A_40 : memref<10240x128xf32, #tpu.memory_space<hbm>>) target(%arg14 : memref<128x128xf32, #tpu.memory_space<vmem>>) offsets(%arg10 : memref<128xi32, #tpu.memory_space<vmem>>) semaphore(%arg16 : memref<!tpu.dma_semaphore, #tpu.memory_space<semaphore_mem>>)
      %scan3A = arith.constant 0 : i32
      %scan3A_41 = arith.constant 0 : i32
      %scan3A_42 = arith.constant 58 : i32
      %scan3A_43 = arith.addi %scan3A_41, %scan3A_42 : i32
      %scan3A_44 = arith.constant 1 : i32
      scf.for %scan3A_46 = %scan3A_41 to %scan3A_43 step %scan3A_44  : i32 {
        %mul3A_47 = arith.constant 2 : i32
        %mul3A_48 = arith.muli %scan3A_46, %mul3A_47 : i32
        %add3A_49 = arith.constant 0 : i32
        %add3A_50 = arith.addi %mul3A_48, %add3A_49 : i32
        %mul3A_51 = arith.constant 128 : i32
        %mul3A_52 = arith.muli %add3A_50, %mul3A_51 : i32
        %add3A_53 = arith.addi %mul3A_31, %mul3A_52 : i32
        "tpu.region"() ({
          %run_scoped3A = tpu.sem_alloc : memref<!tpu.dma_semaphore, #tpu.memory_space<semaphore_mem>>
          %dma_start3A_81 = tpu.memref_slice %arg4[%add3A_53] : memref<323584xi32, #tpu.memory_space<hbm>> -> memref<128xi32, #tpu.memory_space<hbm>>
          %dma_start3A_82 = tpu.memref_slice %arg4[%add3A_53] : memref<323584xi32, #tpu.memory_space<hbm>> -> memref<128xi32, #tpu.memory_space<hbm>>
          tpu.enqueue_dma source(%dma_start3A_82 : memref<128xi32, #tpu.memory_space<hbm>>) target(%arg11 : memref<128xi32, #tpu.memory_space<vmem>>) target_semaphore(%run_scoped3A : memref<!tpu.dma_semaphore, #tpu.memory_space<semaphore_mem>>)
          %dma_wait3A_83 = tpu.memref_slice %arg4[%add3A_53] : memref<323584xi32, #tpu.memory_space<hbm>> -> memref<128xi32, #tpu.memory_space<hbm>>
          %dma_wait3A_84 = tpu.memref_slice %arg4[%add3A_53] : memref<323584xi32, #tpu.memory_space<hbm>> -> memref<128xi32, #tpu.memory_space<hbm>>
          tpu.wait_dma2 semaphore(%run_scoped3A : memref<!tpu.dma_semaphore, #tpu.memory_space<semaphore_mem>>) src(%dma_wait3A_84 : memref<128xi32, #tpu.memory_space<hbm>>) dst(%arg11 : memref<128xi32, #tpu.memory_space<vmem>>)
          tpu.yield
        }) : () -> ()
        %dma_wait3A = arith.constant 0 : i32
        %dma_wait3A_54 = arith.constant 0 : i32
        %dma_wait3A_55 = tpu.memref_slice %arg2[%dma_wait3A, %dma_wait3A_54] : memref<10240x128xf32, #tpu.memory_space<hbm>> -> memref<10240x128xf32, #tpu.memory_space<hbm>>
        tpu.wait_indirect_dma semaphore(%arg15 : memref<!tpu.dma_semaphore, #tpu.memory_space<semaphore_mem>>) src(%dma_wait3A_55 : memref<10240x128xf32, #tpu.memory_space<hbm>>) dst(%arg13 : memref<128x128xf32, #tpu.memory_space<vmem>>)
        "tpu.region"() ({
          %run_scoped3A = tpu.sem_alloc : memref<!tpu.dma_semaphore, #tpu.memory_space<semaphore_mem>>
          %dma_start3A_81 = arith.constant 0 : i32
          %dma_start3A_82 = arith.constant 0 : i32
          %dma_start3A_83 = tpu.memref_slice %arg8[%dma_start3A_81, %dma_start3A_82] : memref<10240x128xf32, #tpu.memory_space<vmem_shared>> -> memref<10240x128xf32, #tpu.memory_space<vmem_shared>>
          tpu.enqueue_indirect_dma source(%arg13 : memref<128x128xf32, #tpu.memory_space<vmem>>) target(%dma_start3A_83 : memref<10240x128xf32, #tpu.memory_space<vmem_shared>>) offsets(%arg11 : memref<128xi32, #tpu.memory_space<vmem>>) semaphore(%run_scoped3A : memref<!tpu.dma_semaphore, #tpu.memory_space<semaphore_mem>>) {add = true}
          %dma_wait3A_84 = arith.constant 0 : i32
          %dma_wait3A_85 = arith.constant 0 : i32
          %dma_wait3A_86 = tpu.memref_slice %arg8[%dma_wait3A_84, %dma_wait3A_85] : memref<10240x128xf32, #tpu.memory_space<vmem_shared>> -> memref<10240x128xf32, #tpu.memory_space<vmem_shared>>
          tpu.wait_indirect_dma semaphore(%run_scoped3A : memref<!tpu.dma_semaphore, #tpu.memory_space<semaphore_mem>>) src(%arg13 : memref<128x128xf32, #tpu.memory_space<vmem>>) dst(%dma_wait3A_86 : memref<10240x128xf32, #tpu.memory_space<vmem_shared>>)
          tpu.yield
        }) : () -> ()
        %add3A_56 = arith.constant 0 : i32
        %add3A_57 = arith.addi %mul3A_48, %add3A_56 : i32
        %add3A_58 = arith.constant 2 : i32
        %add3A_59 = arith.addi %add3A_57, %add3A_58 : i32
        %lt3A = arith.constant 116 : i32
        %lt3A_60 = arith.cmpi slt, %add3A_59, %lt3A : i32
        %convert_element_type3A_61 = arith.extui %lt3A_60 : i1 to i32
        %cond3A_62 = arith.constant 0 : i32
        %cond3A_63 = arith.cmpi ne, %convert_element_type3A_61, %cond3A_62 : i32
        scf.if %cond3A_63 {
          %add3A_81 = arith.constant 0 : i32
          %add3A_82 = arith.addi %mul3A_48, %add3A_81 : i32
          %add3A_83 = arith.constant 2 : i32
          %add3A_84 = arith.addi %add3A_82, %add3A_83 : i32
          %mul3A_85 = arith.constant 128 : i32
          %mul3A_86 = arith.muli %add3A_84, %mul3A_85 : i32
          %add3A_87 = arith.addi %mul3A_31, %mul3A_86 : i32
          "tpu.region"() ({
            %run_scoped3A = tpu.sem_alloc : memref<!tpu.dma_semaphore, #tpu.memory_space<semaphore_mem>>
            %dma_start3A_91 = tpu.memref_slice %arg3[%add3A_87] : memref<323584xi32, #tpu.memory_space<hbm>> -> memref<128xi32, #tpu.memory_space<hbm>>
            %dma_start3A_92 = tpu.memref_slice %arg3[%add3A_87] : memref<323584xi32, #tpu.memory_space<hbm>> -> memref<128xi32, #tpu.memory_space<hbm>>
            tpu.enqueue_dma source(%dma_start3A_92 : memref<128xi32, #tpu.memory_space<hbm>>) target(%arg9 : memref<128xi32, #tpu.memory_space<vmem>>) target_semaphore(%run_scoped3A : memref<!tpu.dma_semaphore, #tpu.memory_space<semaphore_mem>>)
            %dma_wait3A_93 = tpu.memref_slice %arg3[%add3A_87] : memref<323584xi32, #tpu.memory_space<hbm>> -> memref<128xi32, #tpu.memory_space<hbm>>
            %dma_wait3A_94 = tpu.memref_slice %arg3[%add3A_87] : memref<323584xi32, #tpu.memory_space<hbm>> -> memref<128xi32, #tpu.memory_space<hbm>>
            tpu.wait_dma2 semaphore(%run_scoped3A : memref<!tpu.dma_semaphore, #tpu.memory_space<semaphore_mem>>) src(%dma_wait3A_94 : memref<128xi32, #tpu.memory_space<hbm>>) dst(%arg9 : memref<128xi32, #tpu.memory_space<vmem>>)
            tpu.yield
          }) : () -> ()
          %dma_start3A_88 = arith.constant 0 : i32
          %dma_start3A_89 = arith.constant 0 : i32
          %dma_start3A_90 = tpu.memref_slice %arg2[%dma_start3A_88, %dma_start3A_89] : memref<10240x128xf32, #tpu.memory_space<hbm>> -> memref<10240x128xf32, #tpu.memory_space<hbm>>
          tpu.enqueue_indirect_dma source(%dma_start3A_90 : memref<10240x128xf32, #tpu.memory_space<hbm>>) target(%arg13 : memref<128x128xf32, #tpu.memory_space<vmem>>) offsets(%arg9 : memref<128xi32, #tpu.memory_space<vmem>>) semaphore(%arg15 : memref<!tpu.dma_semaphore, #tpu.memory_space<semaphore_mem>>)
        } else {
        }
        %add3A_64 = arith.constant 1 : i32
        %add3A_65 = arith.addi %mul3A_48, %add3A_64 : i32
        %mul3A_66 = arith.constant 128 : i32
        %mul3A_67 = arith.muli %add3A_65, %mul3A_66 : i32
        %add3A_68 = arith.addi %mul3A_31, %mul3A_67 : i32
        "tpu.region"() ({
          %run_scoped3A = tpu.sem_alloc : memref<!tpu.dma_semaphore, #tpu.memory_space<semaphore_mem>>
          %dma_start3A_81 = tpu.memref_slice %arg4[%add3A_68] : memref<323584xi32, #tpu.memory_space<hbm>> -> memref<128xi32, #tpu.memory_space<hbm>>
          %dma_start3A_82 = tpu.memref_slice %arg4[%add3A_68] : memref<323584xi32, #tpu.memory_space<hbm>> -> memref<128xi32, #tpu.memory_space<hbm>>
          tpu.enqueue_dma source(%dma_start3A_82 : memref<128xi32, #tpu.memory_space<hbm>>) target(%arg12 : memref<128xi32, #tpu.memory_space<vmem>>) target_semaphore(%run_scoped3A : memref<!tpu.dma_semaphore, #tpu.memory_space<semaphore_mem>>)
          %dma_wait3A_83 = tpu.memref_slice %arg4[%add3A_68] : memref<323584xi32, #tpu.memory_space<hbm>> -> memref<128xi32, #tpu.memory_space<hbm>>
          %dma_wait3A_84 = tpu.memref_slice %arg4[%add3A_68] : memref<323584xi32, #tpu.memory_space<hbm>> -> memref<128xi32, #tpu.memory_space<hbm>>
          tpu.wait_dma2 semaphore(%run_scoped3A : memref<!tpu.dma_semaphore, #tpu.memory_space<semaphore_mem>>) src(%dma_wait3A_84 : memref<128xi32, #tpu.memory_space<hbm>>) dst(%arg12 : memref<128xi32, #tpu.memory_space<vmem>>)
          tpu.yield
        }) : () -> ()
        %dma_wait3A_69 = arith.constant 0 : i32
        %dma_wait3A_70 = arith.constant 0 : i32
        %dma_wait3A_71 = tpu.memref_slice %arg2[%dma_wait3A_69, %dma_wait3A_70] : memref<10240x128xf32, #tpu.memory_space<hbm>> -> memref<10240x128xf32, #tpu.memory_space<hbm>>
        tpu.wait_indirect_dma semaphore(%arg16 : memref<!tpu.dma_semaphore, #tpu.memory_space<semaphore_mem>>) src(%dma_wait3A_71 : memref<10240x128xf32, #tpu.memory_space<hbm>>) dst(%arg14 : memref<128x128xf32, #tpu.memory_space<vmem>>)
        "tpu.region"() ({
          %run_scoped3A = tpu.sem_alloc : memref<!tpu.dma_semaphore, #tpu.memory_space<semaphore_mem>>
          %dma_start3A_81 = arith.constant 0 : i32
          %dma_start3A_82 = arith.constant 0 : i32
          %dma_start3A_83 = tpu.memref_slice %arg8[%dma_start3A_81, %dma_start3A_82] : memref<10240x128xf32, #tpu.memory_space<vmem_shared>> -> memref<10240x128xf32, #tpu.memory_space<vmem_shared>>
          tpu.enqueue_indirect_dma source(%arg14 : memref<128x128xf32, #tpu.memory_space<vmem>>) target(%dma_start3A_83 : memref<10240x128xf32, #tpu.memory_space<vmem_shared>>) offsets(%arg12 : memref<128xi32, #tpu.memory_space<vmem>>) semaphore(%run_scoped3A : memref<!tpu.dma_semaphore, #tpu.memory_space<semaphore_mem>>) {add = true}
          %dma_wait3A_84 = arith.constant 0 : i32
          %dma_wait3A_85 = arith.constant 0 : i32
          %dma_wait3A_86 = tpu.memref_slice %arg8[%dma_wait3A_84, %dma_wait3A_85] : memref<10240x128xf32, #tpu.memory_space<vmem_shared>> -> memref<10240x128xf32, #tpu.memory_space<vmem_shared>>
          tpu.wait_indirect_dma semaphore(%run_scoped3A : memref<!tpu.dma_semaphore, #tpu.memory_space<semaphore_mem>>) src(%arg14 : memref<128x128xf32, #tpu.memory_space<vmem>>) dst(%dma_wait3A_86 : memref<10240x128xf32, #tpu.memory_space<vmem_shared>>)
          tpu.yield
        }) : () -> ()
        %add3A_72 = arith.constant 1 : i32
        %add3A_73 = arith.addi %mul3A_48, %add3A_72 : i32
        %add3A_74 = arith.constant 2 : i32
        %add3A_75 = arith.addi %add3A_73, %add3A_74 : i32
        %lt3A_76 = arith.constant 116 : i32
        %lt3A_77 = arith.cmpi slt, %add3A_75, %lt3A_76 : i32
        %convert_element_type3A_78 = arith.extui %lt3A_77 : i1 to i32
        %cond3A_79 = arith.constant 0 : i32
        %cond3A_80 = arith.cmpi ne, %convert_element_type3A_78, %cond3A_79 : i32
        scf.if %cond3A_80 {
          %add3A_81 = arith.constant 1 : i32
          %add3A_82 = arith.addi %mul3A_48, %add3A_81 : i32
          %add3A_83 = arith.constant 2 : i32
          %add3A_84 = arith.addi %add3A_82, %add3A_83 : i32
          %mul3A_85 = arith.constant 128 : i32
          %mul3A_86 = arith.muli %add3A_84, %mul3A_85 : i32
          %add3A_87 = arith.addi %mul3A_31, %mul3A_86 : i32
          "tpu.region"() ({
            %run_scoped3A = tpu.sem_alloc : memref<!tpu.dma_semaphore, #tpu.memory_space<semaphore_mem>>
            %dma_start3A_91 = tpu.memref_slice %arg3[%add3A_87] : memref<323584xi32, #tpu.memory_space<hbm>> -> memref<128xi32, #tpu.memory_space<hbm>>
            %dma_start3A_92 = tpu.memref_slice %arg3[%add3A_87] : memref<323584xi32, #tpu.memory_space<hbm>> -> memref<128xi32, #tpu.memory_space<hbm>>
            tpu.enqueue_dma source(%dma_start3A_92 : memref<128xi32, #tpu.memory_space<hbm>>) target(%arg10 : memref<128xi32, #tpu.memory_space<vmem>>) target_semaphore(%run_scoped3A : memref<!tpu.dma_semaphore, #tpu.memory_space<semaphore_mem>>)
            %dma_wait3A_93 = tpu.memref_slice %arg3[%add3A_87] : memref<323584xi32, #tpu.memory_space<hbm>> -> memref<128xi32, #tpu.memory_space<hbm>>
            %dma_wait3A_94 = tpu.memref_slice %arg3[%add3A_87] : memref<323584xi32, #tpu.memory_space<hbm>> -> memref<128xi32, #tpu.memory_space<hbm>>
            tpu.wait_dma2 semaphore(%run_scoped3A : memref<!tpu.dma_semaphore, #tpu.memory_space<semaphore_mem>>) src(%dma_wait3A_94 : memref<128xi32, #tpu.memory_space<hbm>>) dst(%arg10 : memref<128xi32, #tpu.memory_space<vmem>>)
            tpu.yield
          }) : () -> ()
          %dma_start3A_88 = arith.constant 0 : i32
          %dma_start3A_89 = arith.constant 0 : i32
          %dma_start3A_90 = tpu.memref_slice %arg2[%dma_start3A_88, %dma_start3A_89] : memref<10240x128xf32, #tpu.memory_space<hbm>> -> memref<10240x128xf32, #tpu.memory_space<hbm>>
          tpu.enqueue_indirect_dma source(%dma_start3A_90 : memref<10240x128xf32, #tpu.memory_space<hbm>>) target(%arg14 : memref<128x128xf32, #tpu.memory_space<vmem>>) offsets(%arg10 : memref<128xi32, #tpu.memory_space<vmem>>) semaphore(%arg16 : memref<!tpu.dma_semaphore, #tpu.memory_space<semaphore_mem>>)
        } else {
        }
      }
      %scan3A_45 = arith.constant 58 : i32
    } else {
    }
    %ne3A_14 = arith.constant 0 : i32
    %ne3A_15 = arith.cmpi ne, %arg0, %ne3A_14 : i32
    %convert_element_type3A_16 = arith.extui %ne3A_15 : i1 to i32
    %cond3A_17 = arith.constant 0 : i32
    %cond3A_18 = arith.cmpi ne, %convert_element_type3A_16, %cond3A_17 : i32
    scf.if %cond3A_18 {
      %mul3A_30 = arith.constant 5376 : i32
      %mul3A_31 = arith.muli %arg1, %mul3A_30 : i32
      %add3A_32 = arith.constant 237568 : i32
      %add3A_33 = arith.addi %add3A_32, %mul3A_31 : i32
      %scan3A = arith.constant 0 : i32
      %scan3A_34 = arith.constant 0 : i32
      %scan3A_35 = arith.constant 42 : i32
      %scan3A_36 = arith.addi %scan3A_34, %scan3A_35 : i32
      %scan3A_37 = arith.constant 1 : i32
      scf.for %scan3A_39 = %scan3A_34 to %scan3A_36 step %scan3A_37  : i32 {
        %mul3A_40 = arith.constant 128 : i32
        %mul3A_41 = arith.muli %scan3A_39, %mul3A_40 : i32
        %add3A_42 = arith.addi %add3A_33, %mul3A_41 : i32
        "tpu.region"() ({
          %run_scoped3A = tpu.sem_alloc : memref<!tpu.dma_semaphore, #tpu.memory_space<semaphore_mem>>
          %dma_start3A_47 = tpu.memref_slice %arg3[%add3A_42] : memref<323584xi32, #tpu.memory_space<hbm>> -> memref<128xi32, #tpu.memory_space<hbm>>
          %dma_start3A_48 = tpu.memref_slice %arg3[%add3A_42] : memref<323584xi32, #tpu.memory_space<hbm>> -> memref<128xi32, #tpu.memory_space<hbm>>
          tpu.enqueue_dma source(%dma_start3A_48 : memref<128xi32, #tpu.memory_space<hbm>>) target(%arg9 : memref<128xi32, #tpu.memory_space<vmem>>) target_semaphore(%run_scoped3A : memref<!tpu.dma_semaphore, #tpu.memory_space<semaphore_mem>>)
          %dma_wait3A_49 = tpu.memref_slice %arg3[%add3A_42] : memref<323584xi32, #tpu.memory_space<hbm>> -> memref<128xi32, #tpu.memory_space<hbm>>
          %dma_wait3A_50 = tpu.memref_slice %arg3[%add3A_42] : memref<323584xi32, #tpu.memory_space<hbm>> -> memref<128xi32, #tpu.memory_space<hbm>>
          tpu.wait_dma2 semaphore(%run_scoped3A : memref<!tpu.dma_semaphore, #tpu.memory_space<semaphore_mem>>) src(%dma_wait3A_50 : memref<128xi32, #tpu.memory_space<hbm>>) dst(%arg9 : memref<128xi32, #tpu.memory_space<vmem>>)
          tpu.yield
        }) : () -> ()
        %dma_start3A = arith.constant 0 : i32
        %dma_start3A_43 = arith.constant 0 : i32
        %dma_start3A_44 = tpu.memref_slice %arg2[%dma_start3A, %dma_start3A_43] : memref<10240x128xf32, #tpu.memory_space<hbm>> -> memref<10240x128xf32, #tpu.memory_space<hbm>>
        tpu.enqueue_indirect_dma source(%dma_start3A_44 : memref<10240x128xf32, #tpu.memory_space<hbm>>) target(%arg13 : memref<128x128xf32, #tpu.memory_space<vmem>>) offsets(%arg9 : memref<128xi32, #tpu.memory_space<vmem>>) semaphore(%arg15 : memref<!tpu.dma_semaphore, #tpu.memory_space<semaphore_mem>>)
        %dma_wait3A = arith.constant 0 : i32
        %dma_wait3A_45 = arith.constant 0 : i32
        %dma_wait3A_46 = tpu.memref_slice %arg2[%dma_wait3A, %dma_wait3A_45] : memref<10240x128xf32, #tpu.memory_space<hbm>> -> memref<10240x128xf32, #tpu.memory_space<hbm>>
        tpu.wait_indirect_dma semaphore(%arg15 : memref<!tpu.dma_semaphore, #tpu.memory_space<semaphore_mem>>) src(%dma_wait3A_46 : memref<10240x128xf32, #tpu.memory_space<hbm>>) dst(%arg13 : memref<128x128xf32, #tpu.memory_space<vmem>>)
        "tpu.region"() ({
          %run_scoped3A = tpu.sem_alloc : memref<!tpu.dma_semaphore, #tpu.memory_space<semaphore_mem>>
          %dma_start3A_47 = tpu.memref_slice %arg4[%add3A_42] : memref<323584xi32, #tpu.memory_space<hbm>> -> memref<128xi32, #tpu.memory_space<hbm>>
          %dma_start3A_48 = tpu.memref_slice %arg4[%add3A_42] : memref<323584xi32, #tpu.memory_space<hbm>> -> memref<128xi32, #tpu.memory_space<hbm>>
          tpu.enqueue_dma source(%dma_start3A_48 : memref<128xi32, #tpu.memory_space<hbm>>) target(%arg11 : memref<128xi32, #tpu.memory_space<vmem>>) target_semaphore(%run_scoped3A : memref<!tpu.dma_semaphore, #tpu.memory_space<semaphore_mem>>)
          %dma_wait3A_49 = tpu.memref_slice %arg4[%add3A_42] : memref<323584xi32, #tpu.memory_space<hbm>> -> memref<128xi32, #tpu.memory_space<hbm>>
          %dma_wait3A_50 = tpu.memref_slice %arg4[%add3A_42] : memref<323584xi32, #tpu.memory_space<hbm>> -> memref<128xi32, #tpu.memory_space<hbm>>
          tpu.wait_dma2 semaphore(%run_scoped3A : memref<!tpu.dma_semaphore, #tpu.memory_space<semaphore_mem>>) src(%dma_wait3A_50 : memref<128xi32, #tpu.memory_space<hbm>>) dst(%arg11 : memref<128xi32, #tpu.memory_space<vmem>>)
          tpu.yield
        }) : () -> ()
        "tpu.region"() ({
          %run_scoped3A = tpu.sem_alloc : memref<!tpu.dma_semaphore, #tpu.memory_space<semaphore_mem>>
          %dma_start3A_47 = arith.constant 0 : i32
          %dma_start3A_48 = arith.constant 0 : i32
          %dma_start3A_49 = tpu.memref_slice %arg8[%dma_start3A_47, %dma_start3A_48] : memref<10240x128xf32, #tpu.memory_space<vmem_shared>> -> memref<10240x128xf32, #tpu.memory_space<vmem_shared>>
          tpu.enqueue_indirect_dma source(%arg13 : memref<128x128xf32, #tpu.memory_space<vmem>>) target(%dma_start3A_49 : memref<10240x128xf32, #tpu.memory_space<vmem_shared>>) offsets(%arg11 : memref<128xi32, #tpu.memory_space<vmem>>) semaphore(%run_scoped3A : memref<!tpu.dma_semaphore, #tpu.memory_space<semaphore_mem>>) {add = true}
          %dma_wait3A_50 = arith.constant 0 : i32
          %dma_wait3A_51 = arith.constant 0 : i32
          %dma_wait3A_52 = tpu.memref_slice %arg8[%dma_wait3A_50, %dma_wait3A_51] : memref<10240x128xf32, #tpu.memory_space<vmem_shared>> -> memref<10240x128xf32, #tpu.memory_space<vmem_shared>>
          tpu.wait_indirect_dma semaphore(%run_scoped3A : memref<!tpu.dma_semaphore, #tpu.memory_space<semaphore_mem>>) src(%arg13 : memref<128x128xf32, #tpu.memory_space<vmem>>) dst(%dma_wait3A_52 : memref<10240x128xf32, #tpu.memory_space<vmem_shared>>)
          tpu.yield
        }) : () -> ()
      }
      %scan3A_38 = arith.constant 42 : i32
    } else {
    }
    %barrier3A_19 = arith.constant 0 : index
    tpu.barrier barrier_id(%barrier3A_19)
    %eq3A_20 = arith.constant 0 : i32
    %eq3A_21 = arith.cmpi eq, %arg0, %eq3A_20 : i32
    %convert_element_type3A_22 = arith.extui %eq3A_21 : i1 to i32
    %cond3A_23 = arith.constant 0 : i32
    %cond3A_24 = arith.cmpi ne, %convert_element_type3A_22, %cond3A_23 : i32
    scf.if %cond3A_24 {
      "tpu.region"() ({
        %run_scoped3A = tpu.sem_alloc : memref<!tpu.dma_semaphore, #tpu.memory_space<semaphore_mem>>
        %dma_start3A = arith.constant 0 : i32
        %dma_start3A_30 = tpu.memref_slice %arg6[%mul3A_2, %dma_start3A] : memref<10240x128xf32, #tpu.memory_space<hbm>> -> memref<640x128xf32, #tpu.memory_space<hbm>>
        %dma_start3A_31 = arith.constant 0 : i32
        %dma_start3A_32 = tpu.memref_slice %arg8[%mul3A_2, %dma_start3A_31] : memref<10240x128xf32, #tpu.memory_space<vmem_shared>> -> memref<640x128xf32, #tpu.memory_space<vmem_shared>>
        tpu.enqueue_dma source(%dma_start3A_32 : memref<640x128xf32, #tpu.memory_space<vmem_shared>>) target(%dma_start3A_30 : memref<640x128xf32, #tpu.memory_space<hbm>>) target_semaphore(%run_scoped3A : memref<!tpu.dma_semaphore, #tpu.memory_space<semaphore_mem>>)
        %dma_wait3A = arith.constant 0 : i32
        %dma_wait3A_33 = tpu.memref_slice %arg6[%mul3A_2, %dma_wait3A] : memref<10240x128xf32, #tpu.memory_space<hbm>> -> memref<640x128xf32, #tpu.memory_space<hbm>>
        %dma_wait3A_34 = arith.constant 0 : i32
        %dma_wait3A_35 = tpu.memref_slice %arg8[%mul3A_2, %dma_wait3A_34] : memref<10240x128xf32, #tpu.memory_space<vmem_shared>> -> memref<640x128xf32, #tpu.memory_space<vmem_shared>>
        tpu.wait_dma2 semaphore(%run_scoped3A : memref<!tpu.dma_semaphore, #tpu.memory_space<semaphore_mem>>) src(%dma_wait3A_35 : memref<640x128xf32, #tpu.memory_space<vmem_shared>>) dst(%dma_wait3A_33 : memref<640x128xf32, #tpu.memory_space<hbm>>)
        tpu.yield
      }) : () -> ()
    } else {
    }
    %ne3A_25 = arith.constant 0 : i32
    %ne3A_26 = arith.cmpi ne, %arg0, %ne3A_25 : i32
    %convert_element_type3A_27 = arith.extui %ne3A_26 : i1 to i32
    %cond3A_28 = arith.constant 0 : i32
    %cond3A_29 = arith.cmpi ne, %convert_element_type3A_27, %cond3A_28 : i32
    scf.if %cond3A_29 {
      "tpu.region"() ({
        %run_scoped3A = tpu.sem_alloc : memref<!tpu.dma_semaphore, #tpu.memory_space<semaphore_mem>>
        %dma_start3A = arith.constant 0 : i32
        %dma_start3A_30 = tpu.memref_slice %arg7[%mul3A_2, %dma_start3A] : memref<10240x128xf32, #tpu.memory_space<hbm>> -> memref<640x128xf32, #tpu.memory_space<hbm>>
        %dma_start3A_31 = arith.constant 0 : i32
        %dma_start3A_32 = tpu.memref_slice %arg8[%mul3A_2, %dma_start3A_31] : memref<10240x128xf32, #tpu.memory_space<vmem_shared>> -> memref<640x128xf32, #tpu.memory_space<vmem_shared>>
        tpu.enqueue_dma source(%dma_start3A_32 : memref<640x128xf32, #tpu.memory_space<vmem_shared>>) target(%dma_start3A_30 : memref<640x128xf32, #tpu.memory_space<hbm>>) target_semaphore(%run_scoped3A : memref<!tpu.dma_semaphore, #tpu.memory_space<semaphore_mem>>)
        %dma_wait3A = arith.constant 0 : i32
        %dma_wait3A_33 = tpu.memref_slice %arg7[%mul3A_2, %dma_wait3A] : memref<10240x128xf32, #tpu.memory_space<hbm>> -> memref<640x128xf32, #tpu.memory_space<hbm>>
        %dma_wait3A_34 = arith.constant 0 : i32
        %dma_wait3A_35 = tpu.memref_slice %arg8[%mul3A_2, %dma_wait3A_34] : memref<10240x128xf32, #tpu.memory_space<vmem_shared>> -> memref<640x128xf32, #tpu.memory_space<vmem_shared>>
        tpu.wait_dma2 semaphore(%run_scoped3A : memref<!tpu.dma_semaphore, #tpu.memory_space<semaphore_mem>>) src(%dma_wait3A_35 : memref<640x128xf32, #tpu.memory_space<vmem_shared>>) dst(%dma_wait3A_33 : memref<640x128xf32, #tpu.memory_space<hbm>>)
        tpu.yield
      }) : () -> ()
    } else {
    }
    return
  }
}

#map = affine_map<(d0, d1) -> (0, 0)>
#map1 = affine_map<(d0, d1) -> (0)>
module attributes {stable_mosaic.version = 14 : i64} {
  func.func @_agg_kernel(%arg0: i32, %arg1: i32, %arg2: memref<10240x128xf32, #tpu.memory_space<hbm>>, %arg3: memref<323584xi32, #tpu.memory_space<hbm>>, %arg4: memref<323584xi32, #tpu.memory_space<hbm>>, %arg5: memref<10240x128xf32, #tpu.memory_space<hbm>>, %arg6: memref<10240x128xf32, #tpu.memory_space<hbm>>, %arg7: memref<10240x128xf32, #tpu.memory_space<hbm>>, %arg8: memref<10240x128xf32, #tpu.memory_space<vmem_shared>>, %arg9: memref<128xi32, #tpu.memory_space<vmem>>, %arg10: memref<128xi32, #tpu.memory_space<vmem>>, %arg11: memref<128xi32, #tpu.memory_space<vmem>>, %arg12: memref<128xi32, #tpu.memory_space<vmem>>, %arg13: memref<128x128xf32, #tpu.memory_space<vmem>>, %arg14: memref<128x128xf32, #tpu.memory_space<vmem>>, %arg15: memref<!tpu.dma_semaphore, #tpu.memory_space<semaphore_mem>>, %arg16: memref<!tpu.dma_semaphore, #tpu.memory_space<semaphore_mem>>, %arg17: memref<!tpu.dma_semaphore, #tpu.memory_space<semaphore_mem>>, %arg18: memref<!tpu.dma_semaphore, #tpu.memory_space<semaphore_mem>>) attributes {dimension_semantics = [#tpu.dimension_semantics<core_parallel>, #tpu.dimension_semantics<subcore_parallel>], iteration_bounds = array<i64: 2, 16>, scalar_prefetch = 0 : i64, scratch_operands = 11 : i64, tpu.core_type = #tpu.core_type<sc_vector_subcore>, window_params = [{transform_indices = #map}, {transform_indices = #map1}, {transform_indices = #map1}, {transform_indices = #map}, {transform_indices = #map}, {transform_indices = #map}]} {
    %mul3A = arith.constant 2 : i32
    %mul3A_0 = arith.muli %arg1, %mul3A : i32
    %add3A = arith.addi %mul3A_0, %arg0 : i32
    %mul3A_1 = arith.constant 640 : i32
    %mul3A_2 = arith.muli %arg1, %mul3A_1 : i32
    %eq3A = arith.constant 0 : i32
    %eq3A_3 = arith.cmpi eq, %arg0, %eq3A : i32
    %convert_element_type3A = arith.extui %eq3A_3 : i1 to i32
    %cond3A = arith.constant 0 : i32
    %cond3A_4 = arith.cmpi ne, %convert_element_type3A, %cond3A : i32
    scf.if %cond3A_4 {
      "tpu.region"() ({
        %run_scoped3A = tpu.sem_alloc : memref<!tpu.dma_semaphore, #tpu.memory_space<semaphore_mem>>
        %dma_start3A = arith.constant 0 : i32
        %dma_start3A_30 = tpu.memref_slice %arg8[%mul3A_2, %dma_start3A] : memref<10240x128xf32, #tpu.memory_space<vmem_shared>> -> memref<640x128xf32, #tpu.memory_space<vmem_shared>>
        %dma_start3A_31 = arith.constant 0 : i32
        %dma_start3A_32 = tpu.memref_slice %arg2[%mul3A_2, %dma_start3A_31] : memref<10240x128xf32, #tpu.memory_space<hbm>> -> memref<640x128xf32, #tpu.memory_space<hbm>>
        tpu.enqueue_dma source(%dma_start3A_32 : memref<640x128xf32, #tpu.memory_space<hbm>>) target(%dma_start3A_30 : memref<640x128xf32, #tpu.memory_space<vmem_shared>>) target_semaphore(%run_scoped3A : memref<!tpu.dma_semaphore, #tpu.memory_space<semaphore_mem>>)
        %dma_wait3A = arith.constant 0 : i32
        %dma_wait3A_33 = tpu.memref_slice %arg8[%mul3A_2, %dma_wait3A] : memref<10240x128xf32, #tpu.memory_space<vmem_shared>> -> memref<640x128xf32, #tpu.memory_space<vmem_shared>>
        %dma_wait3A_34 = arith.constant 0 : i32
        %dma_wait3A_35 = tpu.memref_slice %arg2[%mul3A_2, %dma_wait3A_34] : memref<10240x128xf32, #tpu.memory_space<hbm>> -> memref<640x128xf32, #tpu.memory_space<hbm>>
        tpu.wait_dma2 semaphore(%run_scoped3A : memref<!tpu.dma_semaphore, #tpu.memory_space<semaphore_mem>>) src(%dma_wait3A_35 : memref<640x128xf32, #tpu.memory_space<hbm>>) dst(%dma_wait3A_33 : memref<640x128xf32, #tpu.memory_space<vmem_shared>>)
        tpu.yield
      }) : () -> ()
    } else {
    }
    %ne3A = arith.constant 0 : i32
    %ne3A_5 = arith.cmpi ne, %arg0, %ne3A : i32
    %convert_element_type3A_6 = arith.extui %ne3A_5 : i1 to i32
    %cond3A_7 = arith.constant 0 : i32
    %cond3A_8 = arith.cmpi ne, %convert_element_type3A_6, %cond3A_7 : i32
    scf.if %cond3A_8 {
      "tpu.region"() ({
        %run_scoped3A = tpu.sem_alloc : memref<!tpu.dma_semaphore, #tpu.memory_space<semaphore_mem>>
        %dma_start3A = arith.constant 0 : i32
        %dma_start3A_30 = tpu.memref_slice %arg8[%mul3A_2, %dma_start3A] : memref<10240x128xf32, #tpu.memory_space<vmem_shared>> -> memref<640x128xf32, #tpu.memory_space<vmem_shared>>
        %dma_start3A_31 = arith.constant 0 : i32
        %dma_start3A_32 = tpu.memref_slice %arg5[%mul3A_2, %dma_start3A_31] : memref<10240x128xf32, #tpu.memory_space<hbm>> -> memref<640x128xf32, #tpu.memory_space<hbm>>
        tpu.enqueue_dma source(%dma_start3A_32 : memref<640x128xf32, #tpu.memory_space<hbm>>) target(%dma_start3A_30 : memref<640x128xf32, #tpu.memory_space<vmem_shared>>) target_semaphore(%run_scoped3A : memref<!tpu.dma_semaphore, #tpu.memory_space<semaphore_mem>>)
        %dma_wait3A = arith.constant 0 : i32
        %dma_wait3A_33 = tpu.memref_slice %arg8[%mul3A_2, %dma_wait3A] : memref<10240x128xf32, #tpu.memory_space<vmem_shared>> -> memref<640x128xf32, #tpu.memory_space<vmem_shared>>
        %dma_wait3A_34 = arith.constant 0 : i32
        %dma_wait3A_35 = tpu.memref_slice %arg5[%mul3A_2, %dma_wait3A_34] : memref<10240x128xf32, #tpu.memory_space<hbm>> -> memref<640x128xf32, #tpu.memory_space<hbm>>
        tpu.wait_dma2 semaphore(%run_scoped3A : memref<!tpu.dma_semaphore, #tpu.memory_space<semaphore_mem>>) src(%dma_wait3A_35 : memref<640x128xf32, #tpu.memory_space<hbm>>) dst(%dma_wait3A_33 : memref<640x128xf32, #tpu.memory_space<vmem_shared>>)
        tpu.yield
      }) : () -> ()
    } else {
    }
    %barrier3A = arith.constant 0 : index
    tpu.barrier barrier_id(%barrier3A)
    %eq3A_9 = arith.constant 0 : i32
    %eq3A_10 = arith.cmpi eq, %arg0, %eq3A_9 : i32
    %convert_element_type3A_11 = arith.extui %eq3A_10 : i1 to i32
    %cond3A_12 = arith.constant 0 : i32
    %cond3A_13 = arith.cmpi ne, %convert_element_type3A_11, %cond3A_12 : i32
    scf.if %cond3A_13 {
      %mul3A_30 = arith.constant 14848 : i32
      %mul3A_31 = arith.muli %arg1, %mul3A_30 : i32
      %add3A_32 = arith.constant 0 : i32
      %add3A_33 = arith.addi %mul3A_31, %add3A_32 : i32
      "tpu.region"() ({
        %run_scoped3A = tpu.sem_alloc : memref<!tpu.dma_semaphore, #tpu.memory_space<semaphore_mem>>
        %dma_start3A_46 = tpu.memref_slice %arg3[%add3A_33] : memref<323584xi32, #tpu.memory_space<hbm>> -> memref<128xi32, #tpu.memory_space<hbm>>
        %dma_start3A_47 = tpu.memref_slice %arg3[%add3A_33] : memref<323584xi32, #tpu.memory_space<hbm>> -> memref<128xi32, #tpu.memory_space<hbm>>
        tpu.enqueue_dma source(%dma_start3A_47 : memref<128xi32, #tpu.memory_space<hbm>>) target(%arg9 : memref<128xi32, #tpu.memory_space<vmem>>) target_semaphore(%run_scoped3A : memref<!tpu.dma_semaphore, #tpu.memory_space<semaphore_mem>>)
        %dma_wait3A = tpu.memref_slice %arg3[%add3A_33] : memref<323584xi32, #tpu.memory_space<hbm>> -> memref<128xi32, #tpu.memory_space<hbm>>
        %dma_wait3A_48 = tpu.memref_slice %arg3[%add3A_33] : memref<323584xi32, #tpu.memory_space<hbm>> -> memref<128xi32, #tpu.memory_space<hbm>>
        tpu.wait_dma2 semaphore(%run_scoped3A : memref<!tpu.dma_semaphore, #tpu.memory_space<semaphore_mem>>) src(%dma_wait3A_48 : memref<128xi32, #tpu.memory_space<hbm>>) dst(%arg9 : memref<128xi32, #tpu.memory_space<vmem>>)
        tpu.yield
      }) : () -> ()
      %dma_start3A = arith.constant 0 : i32
      %dma_start3A_34 = arith.constant 0 : i32
      %dma_start3A_35 = tpu.memref_slice %arg2[%dma_start3A, %dma_start3A_34] : memref<10240x128xf32, #tpu.memory_space<hbm>> -> memref<10240x128xf32, #tpu.memory_space<hbm>>
      tpu.enqueue_indirect_dma source(%dma_start3A_35 : memref<10240x128xf32, #tpu.memory_space<hbm>>) target(%arg13 : memref<128x128xf32, #tpu.memory_space<vmem>>) offsets(%arg9 : memref<128xi32, #tpu.memory_space<vmem>>) semaphore(%arg15 : memref<!tpu.dma_semaphore, #tpu.memory_space<semaphore_mem>>)
      %add3A_36 = arith.constant 128 : i32
      %add3A_37 = arith.addi %mul3A_31, %add3A_36 : i32
      "tpu.region"() ({
        %run_scoped3A = tpu.sem_alloc : memref<!tpu.dma_semaphore, #tpu.memory_space<semaphore_mem>>
        %dma_start3A_46 = tpu.memref_slice %arg3[%add3A_37] : memref<323584xi32, #tpu.memory_space<hbm>> -> memref<128xi32, #tpu.memory_space<hbm>>
        %dma_start3A_47 = tpu.memref_slice %arg3[%add3A_37] : memref<323584xi32, #tpu.memory_space<hbm>> -> memref<128xi32, #tpu.memory_space<hbm>>
        tpu.enqueue_dma source(%dma_start3A_47 : memref<128xi32, #tpu.memory_space<hbm>>) target(%arg10 : memref<128xi32, #tpu.memory_space<vmem>>) target_semaphore(%run_scoped3A : memref<!tpu.dma_semaphore, #tpu.memory_space<semaphore_mem>>)
        %dma_wait3A = tpu.memref_slice %arg3[%add3A_37] : memref<323584xi32, #tpu.memory_space<hbm>> -> memref<128xi32, #tpu.memory_space<hbm>>
        %dma_wait3A_48 = tpu.memref_slice %arg3[%add3A_37] : memref<323584xi32, #tpu.memory_space<hbm>> -> memref<128xi32, #tpu.memory_space<hbm>>
        tpu.wait_dma2 semaphore(%run_scoped3A : memref<!tpu.dma_semaphore, #tpu.memory_space<semaphore_mem>>) src(%dma_wait3A_48 : memref<128xi32, #tpu.memory_space<hbm>>) dst(%arg10 : memref<128xi32, #tpu.memory_space<vmem>>)
        tpu.yield
      }) : () -> ()
      %dma_start3A_38 = arith.constant 0 : i32
      %dma_start3A_39 = arith.constant 0 : i32
      %dma_start3A_40 = tpu.memref_slice %arg2[%dma_start3A_38, %dma_start3A_39] : memref<10240x128xf32, #tpu.memory_space<hbm>> -> memref<10240x128xf32, #tpu.memory_space<hbm>>
      tpu.enqueue_indirect_dma source(%dma_start3A_40 : memref<10240x128xf32, #tpu.memory_space<hbm>>) target(%arg14 : memref<128x128xf32, #tpu.memory_space<vmem>>) offsets(%arg10 : memref<128xi32, #tpu.memory_space<vmem>>) semaphore(%arg16 : memref<!tpu.dma_semaphore, #tpu.memory_space<semaphore_mem>>)
      %scan3A = arith.constant 0 : i32
      %scan3A_41 = arith.constant 0 : i32
      %scan3A_42 = arith.constant 58 : i32
      %scan3A_43 = arith.addi %scan3A_41, %scan3A_42 : i32
      %scan3A_44 = arith.constant 1 : i32
      scf.for %scan3A_46 = %scan3A_41 to %scan3A_43 step %scan3A_44  : i32 {
        %mul3A_47 = arith.constant 2 : i32
        %mul3A_48 = arith.muli %scan3A_46, %mul3A_47 : i32
        %add3A_49 = arith.constant 0 : i32
        %add3A_50 = arith.addi %mul3A_48, %add3A_49 : i32
        %mul3A_51 = arith.constant 128 : i32
        %mul3A_52 = arith.muli %add3A_50, %mul3A_51 : i32
        %add3A_53 = arith.addi %mul3A_31, %mul3A_52 : i32
        "tpu.region"() ({
          %run_scoped3A = tpu.sem_alloc : memref<!tpu.dma_semaphore, #tpu.memory_space<semaphore_mem>>
          %dma_start3A_81 = tpu.memref_slice %arg4[%add3A_53] : memref<323584xi32, #tpu.memory_space<hbm>> -> memref<128xi32, #tpu.memory_space<hbm>>
          %dma_start3A_82 = tpu.memref_slice %arg4[%add3A_53] : memref<323584xi32, #tpu.memory_space<hbm>> -> memref<128xi32, #tpu.memory_space<hbm>>
          tpu.enqueue_dma source(%dma_start3A_82 : memref<128xi32, #tpu.memory_space<hbm>>) target(%arg11 : memref<128xi32, #tpu.memory_space<vmem>>) target_semaphore(%run_scoped3A : memref<!tpu.dma_semaphore, #tpu.memory_space<semaphore_mem>>)
          %dma_wait3A_83 = tpu.memref_slice %arg4[%add3A_53] : memref<323584xi32, #tpu.memory_space<hbm>> -> memref<128xi32, #tpu.memory_space<hbm>>
          %dma_wait3A_84 = tpu.memref_slice %arg4[%add3A_53] : memref<323584xi32, #tpu.memory_space<hbm>> -> memref<128xi32, #tpu.memory_space<hbm>>
          tpu.wait_dma2 semaphore(%run_scoped3A : memref<!tpu.dma_semaphore, #tpu.memory_space<semaphore_mem>>) src(%dma_wait3A_84 : memref<128xi32, #tpu.memory_space<hbm>>) dst(%arg11 : memref<128xi32, #tpu.memory_space<vmem>>)
          tpu.yield
        }) : () -> ()
        %dma_wait3A = arith.constant 0 : i32
        %dma_wait3A_54 = arith.constant 0 : i32
        %dma_wait3A_55 = tpu.memref_slice %arg2[%dma_wait3A, %dma_wait3A_54] : memref<10240x128xf32, #tpu.memory_space<hbm>> -> memref<10240x128xf32, #tpu.memory_space<hbm>>
        tpu.wait_indirect_dma semaphore(%arg15 : memref<!tpu.dma_semaphore, #tpu.memory_space<semaphore_mem>>) src(%dma_wait3A_55 : memref<10240x128xf32, #tpu.memory_space<hbm>>) dst(%arg13 : memref<128x128xf32, #tpu.memory_space<vmem>>)
        "tpu.region"() ({
          %run_scoped3A = tpu.sem_alloc : memref<!tpu.dma_semaphore, #tpu.memory_space<semaphore_mem>>
          %dma_start3A_81 = arith.constant 0 : i32
          %dma_start3A_82 = arith.constant 0 : i32
          %dma_start3A_83 = tpu.memref_slice %arg8[%dma_start3A_81, %dma_start3A_82] : memref<10240x128xf32, #tpu.memory_space<vmem_shared>> -> memref<10240x128xf32, #tpu.memory_space<vmem_shared>>
          tpu.enqueue_indirect_dma source(%arg13 : memref<128x128xf32, #tpu.memory_space<vmem>>) target(%dma_start3A_83 : memref<10240x128xf32, #tpu.memory_space<vmem_shared>>) offsets(%arg11 : memref<128xi32, #tpu.memory_space<vmem>>) semaphore(%run_scoped3A : memref<!tpu.dma_semaphore, #tpu.memory_space<semaphore_mem>>) {add = true}
          %dma_wait3A_84 = arith.constant 0 : i32
          %dma_wait3A_85 = arith.constant 0 : i32
          %dma_wait3A_86 = tpu.memref_slice %arg8[%dma_wait3A_84, %dma_wait3A_85] : memref<10240x128xf32, #tpu.memory_space<vmem_shared>> -> memref<10240x128xf32, #tpu.memory_space<vmem_shared>>
          tpu.wait_indirect_dma semaphore(%run_scoped3A : memref<!tpu.dma_semaphore, #tpu.memory_space<semaphore_mem>>) src(%arg13 : memref<128x128xf32, #tpu.memory_space<vmem>>) dst(%dma_wait3A_86 : memref<10240x128xf32, #tpu.memory_space<vmem_shared>>)
          tpu.yield
        }) : () -> ()
        %add3A_56 = arith.constant 0 : i32
        %add3A_57 = arith.addi %mul3A_48, %add3A_56 : i32
        %add3A_58 = arith.constant 2 : i32
        %add3A_59 = arith.addi %add3A_57, %add3A_58 : i32
        %lt3A = arith.constant 116 : i32
        %lt3A_60 = arith.cmpi slt, %add3A_59, %lt3A : i32
        %convert_element_type3A_61 = arith.extui %lt3A_60 : i1 to i32
        %cond3A_62 = arith.constant 0 : i32
        %cond3A_63 = arith.cmpi ne, %convert_element_type3A_61, %cond3A_62 : i32
        scf.if %cond3A_63 {
          %add3A_81 = arith.constant 0 : i32
          %add3A_82 = arith.addi %mul3A_48, %add3A_81 : i32
          %add3A_83 = arith.constant 2 : i32
          %add3A_84 = arith.addi %add3A_82, %add3A_83 : i32
          %mul3A_85 = arith.constant 128 : i32
          %mul3A_86 = arith.muli %add3A_84, %mul3A_85 : i32
          %add3A_87 = arith.addi %mul3A_31, %mul3A_86 : i32
          "tpu.region"() ({
            %run_scoped3A = tpu.sem_alloc : memref<!tpu.dma_semaphore, #tpu.memory_space<semaphore_mem>>
            %dma_start3A_91 = tpu.memref_slice %arg3[%add3A_87] : memref<323584xi32, #tpu.memory_space<hbm>> -> memref<128xi32, #tpu.memory_space<hbm>>
            %dma_start3A_92 = tpu.memref_slice %arg3[%add3A_87] : memref<323584xi32, #tpu.memory_space<hbm>> -> memref<128xi32, #tpu.memory_space<hbm>>
            tpu.enqueue_dma source(%dma_start3A_92 : memref<128xi32, #tpu.memory_space<hbm>>) target(%arg9 : memref<128xi32, #tpu.memory_space<vmem>>) target_semaphore(%run_scoped3A : memref<!tpu.dma_semaphore, #tpu.memory_space<semaphore_mem>>)
            %dma_wait3A_93 = tpu.memref_slice %arg3[%add3A_87] : memref<323584xi32, #tpu.memory_space<hbm>> -> memref<128xi32, #tpu.memory_space<hbm>>
            %dma_wait3A_94 = tpu.memref_slice %arg3[%add3A_87] : memref<323584xi32, #tpu.memory_space<hbm>> -> memref<128xi32, #tpu.memory_space<hbm>>
            tpu.wait_dma2 semaphore(%run_scoped3A : memref<!tpu.dma_semaphore, #tpu.memory_space<semaphore_mem>>) src(%dma_wait3A_94 : memref<128xi32, #tpu.memory_space<hbm>>) dst(%arg9 : memref<128xi32, #tpu.memory_space<vmem>>)
            tpu.yield
          }) : () -> ()
          %dma_start3A_88 = arith.constant 0 : i32
          %dma_start3A_89 = arith.constant 0 : i32
          %dma_start3A_90 = tpu.memref_slice %arg2[%dma_start3A_88, %dma_start3A_89] : memref<10240x128xf32, #tpu.memory_space<hbm>> -> memref<10240x128xf32, #tpu.memory_space<hbm>>
          tpu.enqueue_indirect_dma source(%dma_start3A_90 : memref<10240x128xf32, #tpu.memory_space<hbm>>) target(%arg13 : memref<128x128xf32, #tpu.memory_space<vmem>>) offsets(%arg9 : memref<128xi32, #tpu.memory_space<vmem>>) semaphore(%arg15 : memref<!tpu.dma_semaphore, #tpu.memory_space<semaphore_mem>>)
        } else {
        }
        %add3A_64 = arith.constant 1 : i32
        %add3A_65 = arith.addi %mul3A_48, %add3A_64 : i32
        %mul3A_66 = arith.constant 128 : i32
        %mul3A_67 = arith.muli %add3A_65, %mul3A_66 : i32
        %add3A_68 = arith.addi %mul3A_31, %mul3A_67 : i32
        "tpu.region"() ({
          %run_scoped3A = tpu.sem_alloc : memref<!tpu.dma_semaphore, #tpu.memory_space<semaphore_mem>>
          %dma_start3A_81 = tpu.memref_slice %arg4[%add3A_68] : memref<323584xi32, #tpu.memory_space<hbm>> -> memref<128xi32, #tpu.memory_space<hbm>>
          %dma_start3A_82 = tpu.memref_slice %arg4[%add3A_68] : memref<323584xi32, #tpu.memory_space<hbm>> -> memref<128xi32, #tpu.memory_space<hbm>>
          tpu.enqueue_dma source(%dma_start3A_82 : memref<128xi32, #tpu.memory_space<hbm>>) target(%arg12 : memref<128xi32, #tpu.memory_space<vmem>>) target_semaphore(%run_scoped3A : memref<!tpu.dma_semaphore, #tpu.memory_space<semaphore_mem>>)
          %dma_wait3A_83 = tpu.memref_slice %arg4[%add3A_68] : memref<323584xi32, #tpu.memory_space<hbm>> -> memref<128xi32, #tpu.memory_space<hbm>>
          %dma_wait3A_84 = tpu.memref_slice %arg4[%add3A_68] : memref<323584xi32, #tpu.memory_space<hbm>> -> memref<128xi32, #tpu.memory_space<hbm>>
          tpu.wait_dma2 semaphore(%run_scoped3A : memref<!tpu.dma_semaphore, #tpu.memory_space<semaphore_mem>>) src(%dma_wait3A_84 : memref<128xi32, #tpu.memory_space<hbm>>) dst(%arg12 : memref<128xi32, #tpu.memory_space<vmem>>)
          tpu.yield
        }) : () -> ()
        %dma_wait3A_69 = arith.constant 0 : i32
        %dma_wait3A_70 = arith.constant 0 : i32
        %dma_wait3A_71 = tpu.memref_slice %arg2[%dma_wait3A_69, %dma_wait3A_70] : memref<10240x128xf32, #tpu.memory_space<hbm>> -> memref<10240x128xf32, #tpu.memory_space<hbm>>
        tpu.wait_indirect_dma semaphore(%arg16 : memref<!tpu.dma_semaphore, #tpu.memory_space<semaphore_mem>>) src(%dma_wait3A_71 : memref<10240x128xf32, #tpu.memory_space<hbm>>) dst(%arg14 : memref<128x128xf32, #tpu.memory_space<vmem>>)
        "tpu.region"() ({
          %run_scoped3A = tpu.sem_alloc : memref<!tpu.dma_semaphore, #tpu.memory_space<semaphore_mem>>
          %dma_start3A_81 = arith.constant 0 : i32
          %dma_start3A_82 = arith.constant 0 : i32
          %dma_start3A_83 = tpu.memref_slice %arg8[%dma_start3A_81, %dma_start3A_82] : memref<10240x128xf32, #tpu.memory_space<vmem_shared>> -> memref<10240x128xf32, #tpu.memory_space<vmem_shared>>
          tpu.enqueue_indirect_dma source(%arg14 : memref<128x128xf32, #tpu.memory_space<vmem>>) target(%dma_start3A_83 : memref<10240x128xf32, #tpu.memory_space<vmem_shared>>) offsets(%arg12 : memref<128xi32, #tpu.memory_space<vmem>>) semaphore(%run_scoped3A : memref<!tpu.dma_semaphore, #tpu.memory_space<semaphore_mem>>) {add = true}
          %dma_wait3A_84 = arith.constant 0 : i32
          %dma_wait3A_85 = arith.constant 0 : i32
          %dma_wait3A_86 = tpu.memref_slice %arg8[%dma_wait3A_84, %dma_wait3A_85] : memref<10240x128xf32, #tpu.memory_space<vmem_shared>> -> memref<10240x128xf32, #tpu.memory_space<vmem_shared>>
          tpu.wait_indirect_dma semaphore(%run_scoped3A : memref<!tpu.dma_semaphore, #tpu.memory_space<semaphore_mem>>) src(%arg14 : memref<128x128xf32, #tpu.memory_space<vmem>>) dst(%dma_wait3A_86 : memref<10240x128xf32, #tpu.memory_space<vmem_shared>>)
          tpu.yield
        }) : () -> ()
        %add3A_72 = arith.constant 1 : i32
        %add3A_73 = arith.addi %mul3A_48, %add3A_72 : i32
        %add3A_74 = arith.constant 2 : i32
        %add3A_75 = arith.addi %add3A_73, %add3A_74 : i32
        %lt3A_76 = arith.constant 116 : i32
        %lt3A_77 = arith.cmpi slt, %add3A_75, %lt3A_76 : i32
        %convert_element_type3A_78 = arith.extui %lt3A_77 : i1 to i32
        %cond3A_79 = arith.constant 0 : i32
        %cond3A_80 = arith.cmpi ne, %convert_element_type3A_78, %cond3A_79 : i32
        scf.if %cond3A_80 {
          %add3A_81 = arith.constant 1 : i32
          %add3A_82 = arith.addi %mul3A_48, %add3A_81 : i32
          %add3A_83 = arith.constant 2 : i32
          %add3A_84 = arith.addi %add3A_82, %add3A_83 : i32
          %mul3A_85 = arith.constant 128 : i32
          %mul3A_86 = arith.muli %add3A_84, %mul3A_85 : i32
          %add3A_87 = arith.addi %mul3A_31, %mul3A_86 : i32
          "tpu.region"() ({
            %run_scoped3A = tpu.sem_alloc : memref<!tpu.dma_semaphore, #tpu.memory_space<semaphore_mem>>
            %dma_start3A_91 = tpu.memref_slice %arg3[%add3A_87] : memref<323584xi32, #tpu.memory_space<hbm>> -> memref<128xi32, #tpu.memory_space<hbm>>
            %dma_start3A_92 = tpu.memref_slice %arg3[%add3A_87] : memref<323584xi32, #tpu.memory_space<hbm>> -> memref<128xi32, #tpu.memory_space<hbm>>
            tpu.enqueue_dma source(%dma_start3A_92 : memref<128xi32, #tpu.memory_space<hbm>>) target(%arg10 : memref<128xi32, #tpu.memory_space<vmem>>) target_semaphore(%run_scoped3A : memref<!tpu.dma_semaphore, #tpu.memory_space<semaphore_mem>>)
            %dma_wait3A_93 = tpu.memref_slice %arg3[%add3A_87] : memref<323584xi32, #tpu.memory_space<hbm>> -> memref<128xi32, #tpu.memory_space<hbm>>
            %dma_wait3A_94 = tpu.memref_slice %arg3[%add3A_87] : memref<323584xi32, #tpu.memory_space<hbm>> -> memref<128xi32, #tpu.memory_space<hbm>>
            tpu.wait_dma2 semaphore(%run_scoped3A : memref<!tpu.dma_semaphore, #tpu.memory_space<semaphore_mem>>) src(%dma_wait3A_94 : memref<128xi32, #tpu.memory_space<hbm>>) dst(%arg10 : memref<128xi32, #tpu.memory_space<vmem>>)
            tpu.yield
          }) : () -> ()
          %dma_start3A_88 = arith.constant 0 : i32
          %dma_start3A_89 = arith.constant 0 : i32
          %dma_start3A_90 = tpu.memref_slice %arg2[%dma_start3A_88, %dma_start3A_89] : memref<10240x128xf32, #tpu.memory_space<hbm>> -> memref<10240x128xf32, #tpu.memory_space<hbm>>
          tpu.enqueue_indirect_dma source(%dma_start3A_90 : memref<10240x128xf32, #tpu.memory_space<hbm>>) target(%arg14 : memref<128x128xf32, #tpu.memory_space<vmem>>) offsets(%arg10 : memref<128xi32, #tpu.memory_space<vmem>>) semaphore(%arg16 : memref<!tpu.dma_semaphore, #tpu.memory_space<semaphore_mem>>)
        } else {
        }
      }
      %scan3A_45 = arith.constant 58 : i32
    } else {
    }
    %ne3A_14 = arith.constant 0 : i32
    %ne3A_15 = arith.cmpi ne, %arg0, %ne3A_14 : i32
    %convert_element_type3A_16 = arith.extui %ne3A_15 : i1 to i32
    %cond3A_17 = arith.constant 0 : i32
    %cond3A_18 = arith.cmpi ne, %convert_element_type3A_16, %cond3A_17 : i32
    scf.if %cond3A_18 {
      %mul3A_30 = arith.constant 5376 : i32
      %mul3A_31 = arith.muli %arg1, %mul3A_30 : i32
      %add3A_32 = arith.constant 237568 : i32
      %add3A_33 = arith.addi %add3A_32, %mul3A_31 : i32
      %scan3A = arith.constant 0 : i32
      %scan3A_34 = arith.constant 0 : i32
      %scan3A_35 = arith.constant 42 : i32
      %scan3A_36 = arith.addi %scan3A_34, %scan3A_35 : i32
      %scan3A_37 = arith.constant 1 : i32
      scf.for %scan3A_39 = %scan3A_34 to %scan3A_36 step %scan3A_37  : i32 {
        %mul3A_40 = arith.constant 128 : i32
        %mul3A_41 = arith.muli %scan3A_39, %mul3A_40 : i32
        %add3A_42 = arith.addi %add3A_33, %mul3A_41 : i32
        "tpu.region"() ({
          %run_scoped3A = tpu.sem_alloc : memref<!tpu.dma_semaphore, #tpu.memory_space<semaphore_mem>>
          %dma_start3A_47 = tpu.memref_slice %arg3[%add3A_42] : memref<323584xi32, #tpu.memory_space<hbm>> -> memref<128xi32, #tpu.memory_space<hbm>>
          %dma_start3A_48 = tpu.memref_slice %arg3[%add3A_42] : memref<323584xi32, #tpu.memory_space<hbm>> -> memref<128xi32, #tpu.memory_space<hbm>>
          tpu.enqueue_dma source(%dma_start3A_48 : memref<128xi32, #tpu.memory_space<hbm>>) target(%arg9 : memref<128xi32, #tpu.memory_space<vmem>>) target_semaphore(%run_scoped3A : memref<!tpu.dma_semaphore, #tpu.memory_space<semaphore_mem>>)
          %dma_wait3A_49 = tpu.memref_slice %arg3[%add3A_42] : memref<323584xi32, #tpu.memory_space<hbm>> -> memref<128xi32, #tpu.memory_space<hbm>>
          %dma_wait3A_50 = tpu.memref_slice %arg3[%add3A_42] : memref<323584xi32, #tpu.memory_space<hbm>> -> memref<128xi32, #tpu.memory_space<hbm>>
          tpu.wait_dma2 semaphore(%run_scoped3A : memref<!tpu.dma_semaphore, #tpu.memory_space<semaphore_mem>>) src(%dma_wait3A_50 : memref<128xi32, #tpu.memory_space<hbm>>) dst(%arg9 : memref<128xi32, #tpu.memory_space<vmem>>)
          tpu.yield
        }) : () -> ()
        %dma_start3A = arith.constant 0 : i32
        %dma_start3A_43 = arith.constant 0 : i32
        %dma_start3A_44 = tpu.memref_slice %arg2[%dma_start3A, %dma_start3A_43] : memref<10240x128xf32, #tpu.memory_space<hbm>> -> memref<10240x128xf32, #tpu.memory_space<hbm>>
        tpu.enqueue_indirect_dma source(%dma_start3A_44 : memref<10240x128xf32, #tpu.memory_space<hbm>>) target(%arg13 : memref<128x128xf32, #tpu.memory_space<vmem>>) offsets(%arg9 : memref<128xi32, #tpu.memory_space<vmem>>) semaphore(%arg15 : memref<!tpu.dma_semaphore, #tpu.memory_space<semaphore_mem>>)
        %dma_wait3A = arith.constant 0 : i32
        %dma_wait3A_45 = arith.constant 0 : i32
        %dma_wait3A_46 = tpu.memref_slice %arg2[%dma_wait3A, %dma_wait3A_45] : memref<10240x128xf32, #tpu.memory_space<hbm>> -> memref<10240x128xf32, #tpu.memory_space<hbm>>
        tpu.wait_indirect_dma semaphore(%arg15 : memref<!tpu.dma_semaphore, #tpu.memory_space<semaphore_mem>>) src(%dma_wait3A_46 : memref<10240x128xf32, #tpu.memory_space<hbm>>) dst(%arg13 : memref<128x128xf32, #tpu.memory_space<vmem>>)
        "tpu.region"() ({
          %run_scoped3A = tpu.sem_alloc : memref<!tpu.dma_semaphore, #tpu.memory_space<semaphore_mem>>
          %dma_start3A_47 = tpu.memref_slice %arg4[%add3A_42] : memref<323584xi32, #tpu.memory_space<hbm>> -> memref<128xi32, #tpu.memory_space<hbm>>
          %dma_start3A_48 = tpu.memref_slice %arg4[%add3A_42] : memref<323584xi32, #tpu.memory_space<hbm>> -> memref<128xi32, #tpu.memory_space<hbm>>
          tpu.enqueue_dma source(%dma_start3A_48 : memref<128xi32, #tpu.memory_space<hbm>>) target(%arg11 : memref<128xi32, #tpu.memory_space<vmem>>) target_semaphore(%run_scoped3A : memref<!tpu.dma_semaphore, #tpu.memory_space<semaphore_mem>>)
          %dma_wait3A_49 = tpu.memref_slice %arg4[%add3A_42] : memref<323584xi32, #tpu.memory_space<hbm>> -> memref<128xi32, #tpu.memory_space<hbm>>
          %dma_wait3A_50 = tpu.memref_slice %arg4[%add3A_42] : memref<323584xi32, #tpu.memory_space<hbm>> -> memref<128xi32, #tpu.memory_space<hbm>>
          tpu.wait_dma2 semaphore(%run_scoped3A : memref<!tpu.dma_semaphore, #tpu.memory_space<semaphore_mem>>) src(%dma_wait3A_50 : memref<128xi32, #tpu.memory_space<hbm>>) dst(%arg11 : memref<128xi32, #tpu.memory_space<vmem>>)
          tpu.yield
        }) : () -> ()
        "tpu.region"() ({
          %run_scoped3A = tpu.sem_alloc : memref<!tpu.dma_semaphore, #tpu.memory_space<semaphore_mem>>
          %dma_start3A_47 = arith.constant 0 : i32
          %dma_start3A_48 = arith.constant 0 : i32
          %dma_start3A_49 = tpu.memref_slice %arg8[%dma_start3A_47, %dma_start3A_48] : memref<10240x128xf32, #tpu.memory_space<vmem_shared>> -> memref<10240x128xf32, #tpu.memory_space<vmem_shared>>
          tpu.enqueue_indirect_dma source(%arg13 : memref<128x128xf32, #tpu.memory_space<vmem>>) target(%dma_start3A_49 : memref<10240x128xf32, #tpu.memory_space<vmem_shared>>) offsets(%arg11 : memref<128xi32, #tpu.memory_space<vmem>>) semaphore(%run_scoped3A : memref<!tpu.dma_semaphore, #tpu.memory_space<semaphore_mem>>) {add = true}
          %dma_wait3A_50 = arith.constant 0 : i32
          %dma_wait3A_51 = arith.constant 0 : i32
          %dma_wait3A_52 = tpu.memref_slice %arg8[%dma_wait3A_50, %dma_wait3A_51] : memref<10240x128xf32, #tpu.memory_space<vmem_shared>> -> memref<10240x128xf32, #tpu.memory_space<vmem_shared>>
          tpu.wait_indirect_dma semaphore(%run_scoped3A : memref<!tpu.dma_semaphore, #tpu.memory_space<semaphore_mem>>) src(%arg13 : memref<128x128xf32, #tpu.memory_space<vmem>>) dst(%dma_wait3A_52 : memref<10240x128xf32, #tpu.memory_space<vmem_shared>>)
          tpu.yield
        }) : () -> ()
      }
      %scan3A_38 = arith.constant 42 : i32
    } else {
    }
    %barrier3A_19 = arith.constant 0 : index
    tpu.barrier barrier_id(%barrier3A_19)
    %eq3A_20 = arith.constant 0 : i32
    %eq3A_21 = arith.cmpi eq, %arg0, %eq3A_20 : i32
    %convert_element_type3A_22 = arith.extui %eq3A_21 : i1 to i32
    %cond3A_23 = arith.constant 0 : i32
    %cond3A_24 = arith.cmpi ne, %convert_element_type3A_22, %cond3A_23 : i32
    scf.if %cond3A_24 {
      "tpu.region"() ({
        %run_scoped3A = tpu.sem_alloc : memref<!tpu.dma_semaphore, #tpu.memory_space<semaphore_mem>>
        %dma_start3A = arith.constant 0 : i32
        %dma_start3A_30 = tpu.memref_slice %arg6[%mul3A_2, %dma_start3A] : memref<10240x128xf32, #tpu.memory_space<hbm>> -> memref<640x128xf32, #tpu.memory_space<hbm>>
        %dma_start3A_31 = arith.constant 0 : i32
        %dma_start3A_32 = tpu.memref_slice %arg8[%mul3A_2, %dma_start3A_31] : memref<10240x128xf32, #tpu.memory_space<vmem_shared>> -> memref<640x128xf32, #tpu.memory_space<vmem_shared>>
        tpu.enqueue_dma source(%dma_start3A_32 : memref<640x128xf32, #tpu.memory_space<vmem_shared>>) target(%dma_start3A_30 : memref<640x128xf32, #tpu.memory_space<hbm>>) target_semaphore(%run_scoped3A : memref<!tpu.dma_semaphore, #tpu.memory_space<semaphore_mem>>)
        %dma_wait3A = arith.constant 0 : i32
        %dma_wait3A_33 = tpu.memref_slice %arg6[%mul3A_2, %dma_wait3A] : memref<10240x128xf32, #tpu.memory_space<hbm>> -> memref<640x128xf32, #tpu.memory_space<hbm>>
        %dma_wait3A_34 = arith.constant 0 : i32
        %dma_wait3A_35 = tpu.memref_slice %arg8[%mul3A_2, %dma_wait3A_34] : memref<10240x128xf32, #tpu.memory_space<vmem_shared>> -> memref<640x128xf32, #tpu.memory_space<vmem_shared>>
        tpu.wait_dma2 semaphore(%run_scoped3A : memref<!tpu.dma_semaphore, #tpu.memory_space<semaphore_mem>>) src(%dma_wait3A_35 : memref<640x128xf32, #tpu.memory_space<vmem_shared>>) dst(%dma_wait3A_33 : memref<640x128xf32, #tpu.memory_space<hbm>>)
        tpu.yield
      }) : () -> ()
    } else {
    }
    %ne3A_25 = arith.constant 0 : i32
    %ne3A_26 = arith.cmpi ne, %arg0, %ne3A_25 : i32
    %convert_element_type3A_27 = arith.extui %ne3A_26 : i1 to i32
    %cond3A_28 = arith.constant 0 : i32
    %cond3A_29 = arith.cmpi ne, %convert_element_type3A_27, %cond3A_28 : i32
    scf.if %cond3A_29 {
      "tpu.region"() ({
        %run_scoped3A = tpu.sem_alloc : memref<!tpu.dma_semaphore, #tpu.memory_space<semaphore_mem>>
        %dma_start3A = arith.constant 0 : i32
        %dma_start3A_30 = tpu.memref_slice %arg7[%mul3A_2, %dma_start3A] : memref<10240x128xf32, #tpu.memory_space<hbm>> -> memref<640x128xf32, #tpu.memory_space<hbm>>
        %dma_start3A_31 = arith.constant 0 : i32
        %dma_start3A_32 = tpu.memref_slice %arg8[%mul3A_2, %dma_start3A_31] : memref<10240x128xf32, #tpu.memory_space<vmem_shared>> -> memref<640x128xf32, #tpu.memory_space<vmem_shared>>
        tpu.enqueue_dma source(%dma_start3A_32 : memref<640x128xf32, #tpu.memory_space<vmem_shared>>) target(%dma_start3A_30 : memref<640x128xf32, #tpu.memory_space<hbm>>) target_semaphore(%run_scoped3A : memref<!tpu.dma_semaphore, #tpu.memory_space<semaphore_mem>>)
        %dma_wait3A = arith.constant 0 : i32
        %dma_wait3A_33 = tpu.memref_slice %arg7[%mul3A_2, %dma_wait3A] : memref<10240x128xf32, #tpu.memory_space<hbm>> -> memref<640x128xf32, #tpu.memory_space<hbm>>
        %dma_wait3A_34 = arith.constant 0 : i32
        %dma_wait3A_35 = tpu.memref_slice %arg8[%mul3A_2, %dma_wait3A_34] : memref<10240x128xf32, #tpu.memory_space<vmem_shared>> -> memref<640x128xf32, #tpu.memory_space<vmem_shared>>
        tpu.wait_dma2 semaphore(%run_scoped3A : memref<!tpu.dma_semaphore, #tpu.memory_space<semaphore_mem>>) src(%dma_wait3A_35 : memref<640x128xf32, #tpu.memory_space<vmem_shared>>) dst(%dma_wait3A_33 : memref<640x128xf32, #tpu.memory_space<hbm>>)
        tpu.yield
      }) : () -> ()
    } else {
    }
    return
  }
}

module attributes {stable_mosaic.version = 14 : i64} {
  func.func @_mm_body(%arg0: i32, %arg1: memref<1024x128xf32, #tpu.memory_space<vmem>>, %arg2: memref<128x128xf32, #tpu.memory_space<vmem>>, %arg3: memref<1024x128xf32, #tpu.memory_space<vmem>>) attributes {dimension_semantics = [#tpu.dimension_semantics<arbitrary>], iteration_bounds = array<i64: 10>, scalar_prefetch = 0 : i64, scratch_operands = 0 : i64, tpu.core_type = #tpu.core_type<tc>, window_params = [{transform_indices = @transform_0, window_bounds = array<i64: 1024, 128>}, {pipeline_mode = #tpu.pipeline_mode<synchronous>, transform_indices = @transform_1, window_bounds = array<i64: 128, 128>}, {transform_indices = @transform_2, window_bounds = array<i64: 1024, 128>}]} {
    %get3A = arith.constant 0 : index
    %get3A_0 = arith.constant 0 : index
    %get3A_1 = vector.load %arg1[%get3A, %get3A_0] : memref<1024x128xf32, #tpu.memory_space<vmem>>, vector<1024x128xf32>
    %get3A_2 = arith.constant 0 : index
    %get3A_3 = arith.constant 0 : index
    %get3A_4 = vector.load %arg2[%get3A_2, %get3A_3] : memref<128x128xf32, #tpu.memory_space<vmem>>, vector<128x128xf32>
    %dot_general3A = arith.constant dense<0.000000e+00> : vector<1024x128xf32>
    %dot_general3A_5 = tpu.matmul %get3A_1, %get3A_4, %dot_general3A {dimension_numbers = #tpu.dot_dimension_numbers<[1], [0], [0], [1], [0, 0, 1, 1], [], []>, transpose_lhs_hint = false} : vector<1024x128xf32>, vector<128x128xf32>, vector<1024x128xf32> -> vector<1024x128xf32>
    %swap3A = arith.constant 0 : index
    %swap3A_6 = arith.constant 0 : index
    %swap3A_7 = vector.load %arg3[%swap3A, %swap3A_6] : memref<1024x128xf32, #tpu.memory_space<vmem>>, vector<1024x128xf32>
    tpu.vector_store %arg3[%swap3A, %swap3A_6], %dot_general3A_5 {strides = array<i32>} : memref<1024x128xf32, #tpu.memory_space<vmem>>, vector<1024x128xf32>,
    return
  }
  func.func @transform_0(%arg0: i32) -> (i32, i32) {
    %c0_i32 = arith.constant 0 : i32
    %c0_i32_0 = arith.constant 0 : i32
    return %arg0, %c0_i32 : i32, i32
  }
  func.func @transform_1(%arg0: i32) -> (i32, i32) {
    %c0_i32 = arith.constant 0 : i32
    %c0_i32_0 = arith.constant 0 : i32
    %c0_i32_1 = arith.constant 0 : i32
    return %c0_i32, %c0_i32_0 : i32, i32
  }
  func.func @transform_2(%arg0: i32) -> (i32, i32) {
    %c0_i32 = arith.constant 0 : i32
    %c0_i32_0 = arith.constant 0 : i32
    return %arg0, %c0_i32 : i32, i32
  }
}

module attributes {stable_mosaic.version = 14 : i64} {
  func.func @_scale_body(%arg0: i32, %arg1: memref<1024xf32, #tpu.memory_space<vmem>>, %arg2: memref<1024xf32, #tpu.memory_space<vmem>>, %arg3: memref<1024x128xf32, #tpu.memory_space<vmem>>, %arg4: memref<1024xf32, #tpu.memory_space<vmem>>, %arg5: memref<1024x128xf32, #tpu.memory_space<vmem>>) attributes {dimension_semantics = [#tpu.dimension_semantics<arbitrary>], iteration_bounds = array<i64: 10>, scalar_prefetch = 0 : i64, scratch_operands = 0 : i64, tpu.core_type = #tpu.core_type<tc>, window_params = [{transform_indices = @transform_0, window_bounds = array<i64: 1024>}, {transform_indices = @transform_1, window_bounds = array<i64: 1024>}, {transform_indices = @transform_2, window_bounds = array<i64: 1024, 128>}, {transform_indices = @transform_3, window_bounds = array<i64: 1024>}, {transform_indices = @transform_4, window_bounds = array<i64: 1024, 128>}]} {
    %get3A = arith.constant 0 : index
    %get3A_0 = vector.load %arg1[%get3A] : memref<1024xf32, #tpu.memory_space<vmem>>, vector<1024xf32>
    %get3A_1 = arith.constant 0 : index
    %get3A_2 = vector.load %arg2[%get3A_1] : memref<1024xf32, #tpu.memory_space<vmem>>, vector<1024xf32>
    %add3A = arith.addf %get3A_0, %get3A_2 : vector<1024xf32>
    %rsqrt3A = math.rsqrt %add3A : vector<1024xf32>
    %swap3A = arith.constant 0 : index
    %swap3A_3 = vector.load %arg4[%swap3A] : memref<1024xf32, #tpu.memory_space<vmem>>, vector<1024xf32>
    tpu.vector_store %arg4[%swap3A], %rsqrt3A {strides = array<i32>} : memref<1024xf32, #tpu.memory_space<vmem>>, vector<1024xf32>,
    %get3A_4 = arith.constant 0 : index
    %get3A_5 = arith.constant 0 : index
    %get3A_6 = vector.load %arg3[%get3A_4, %get3A_5] : memref<1024x128xf32, #tpu.memory_space<vmem>>, vector<1024x128xf32>
    %broadcast_in_dim3A = vector.shape_cast %rsqrt3A : vector<1024xf32> to vector<1024x1xf32>
    %mul3A = vector.broadcast %broadcast_in_dim3A : vector<1024x1xf32> to vector<1024x128xf32>
    %mul3A_7 = arith.mulf %get3A_6, %mul3A : vector<1024x128xf32>
    %swap3A_8 = arith.constant 0 : index
    %swap3A_9 = arith.constant 0 : index
    %swap3A_10 = vector.load %arg5[%swap3A_8, %swap3A_9] : memref<1024x128xf32, #tpu.memory_space<vmem>>, vector<1024x128xf32>
    tpu.vector_store %arg5[%swap3A_8, %swap3A_9], %mul3A_7 {strides = array<i32>} : memref<1024x128xf32, #tpu.memory_space<vmem>>, vector<1024x128xf32>,
    return
  }
  func.func @transform_0(%arg0: i32) -> i32 {
    %c0_i32 = arith.constant 0 : i32
    return %arg0 : i32
  }
  func.func @transform_1(%arg0: i32) -> i32 {
    %c0_i32 = arith.constant 0 : i32
    return %arg0 : i32
  }
  func.func @transform_2(%arg0: i32) -> (i32, i32) {
    %c0_i32 = arith.constant 0 : i32
    %c0_i32_0 = arith.constant 0 : i32
    return %arg0, %c0_i32 : i32, i32
  }
  func.func @transform_3(%arg0: i32) -> i32 {
    %c0_i32 = arith.constant 0 : i32
    return %arg0 : i32
  }
  func.func @transform_4(%arg0: i32) -> (i32, i32) {
    %c0_i32 = arith.constant 0 : i32
    %c0_i32_0 = arith.constant 0 : i32
    return %arg0, %c0_i32 : i32, i32
  }
}

module attributes {stable_mosaic.version = 14 : i64} {
  func.func @_fused_body(%arg0: i32, %arg1: memref<1024x128xf32, #tpu.memory_space<vmem>>, %arg2: memref<1024x128xf32, #tpu.memory_space<vmem>>, %arg3: memref<1024xf32, #tpu.memory_space<vmem>>, %arg4: memref<1x128xf32, #tpu.memory_space<vmem>>, %arg5: memref<128x128xf32, #tpu.memory_space<vmem>>, %arg6: memref<1024x128xf32, #tpu.memory_space<vmem>>) attributes {dimension_semantics = [#tpu.dimension_semantics<arbitrary>], iteration_bounds = array<i64: 10>, scalar_prefetch = 0 : i64, scratch_operands = 0 : i64, tpu.core_type = #tpu.core_type<tc>, window_params = [{transform_indices = @transform_0, window_bounds = array<i64: 1024, 128>}, {transform_indices = @transform_1, window_bounds = array<i64: 1024, 128>}, {transform_indices = @transform_2, window_bounds = array<i64: 1024>}, {pipeline_mode = #tpu.pipeline_mode<synchronous>, transform_indices = @transform_3, window_bounds = array<i64: 1, 128>}, {pipeline_mode = #tpu.pipeline_mode<synchronous>, transform_indices = @transform_4, window_bounds = array<i64: 128, 128>}, {transform_indices = @transform_5, window_bounds = array<i64: 1024, 128>}]} {
    %get3A = arith.constant 0 : index
    %get3A_0 = vector.load %arg3[%get3A] : memref<1024xf32, #tpu.memory_space<vmem>>, vector<1024xf32>
    %get3A_1 = arith.constant 0 : index
    %get3A_2 = arith.constant 0 : index
    %get3A_3 = vector.load %arg1[%get3A_1, %get3A_2] : memref<1024x128xf32, #tpu.memory_space<vmem>>, vector<1024x128xf32>
    %get3A_4 = arith.constant 0 : index
    %get3A_5 = arith.constant 0 : index
    %get3A_6 = vector.load %arg2[%get3A_4, %get3A_5] : memref<1024x128xf32, #tpu.memory_space<vmem>>, vector<1024x128xf32>
    %add3A = arith.addf %get3A_3, %get3A_6 : vector<1024x128xf32>
    %broadcast_in_dim3A = vector.shape_cast %get3A_0 : vector<1024xf32> to vector<1024x1xf32>
    %mul3A = vector.broadcast %broadcast_in_dim3A : vector<1024x1xf32> to vector<1024x128xf32>
    %mul3A_7 = arith.mulf %add3A, %mul3A : vector<1024x128xf32>
    %get3A_8 = arith.constant 0 : index
    %get3A_9 = arith.constant 0 : index
    %get3A_10 = vector.load %arg4[%get3A_8, %get3A_9] : memref<1x128xf32, #tpu.memory_space<vmem>>, vector<1x128xf32>
    %add3A_11 = vector.broadcast %get3A_10 : vector<1x128xf32> to vector<1024x128xf32>
    %add3A_12 = arith.addf %mul3A_7, %add3A_11 : vector<1024x128xf32>
    %max3A = arith.constant 0.000000e+00 : f32
    %max3A_13 = vector.broadcast %max3A : f32 to vector<1024x128xf32>
    %max3A_14 = arith.maximumf %add3A_12, %max3A_13 : vector<1024x128xf32>
    %get3A_15 = arith.constant 0 : index
    %get3A_16 = arith.constant 0 : index
    %get3A_17 = vector.load %arg5[%get3A_15, %get3A_16] : memref<128x128xf32, #tpu.memory_space<vmem>>, vector<128x128xf32>
    %dot_general3A = arith.constant dense<0.000000e+00> : vector<1024x128xf32>
    %dot_general3A_18 = tpu.matmul %max3A_14, %get3A_17, %dot_general3A {dimension_numbers = #tpu.dot_dimension_numbers<[1], [0], [0], [1], [0, 0, 1, 1], [], []>, transpose_lhs_hint = false} : vector<1024x128xf32>, vector<128x128xf32>, vector<1024x128xf32> -> vector<1024x128xf32>
    %broadcast_in_dim3A_19 = vector.shape_cast %get3A_0 : vector<1024xf32> to vector<1024x1xf32>
    %mul3A_20 = vector.broadcast %broadcast_in_dim3A_19 : vector<1024x1xf32> to vector<1024x128xf32>
    %mul3A_21 = arith.mulf %dot_general3A_18, %mul3A_20 : vector<1024x128xf32>
    %swap3A = arith.constant 0 : index
    %swap3A_22 = arith.constant 0 : index
    %swap3A_23 = vector.load %arg6[%swap3A, %swap3A_22] : memref<1024x128xf32, #tpu.memory_space<vmem>>, vector<1024x128xf32>
    tpu.vector_store %arg6[%swap3A, %swap3A_22], %mul3A_21 {strides = array<i32>} : memref<1024x128xf32, #tpu.memory_space<vmem>>, vector<1024x128xf32>,
    return
  }
  func.func @transform_0(%arg0: i32) -> (i32, i32) {
    %c0_i32 = arith.constant 0 : i32
    %c0_i32_0 = arith.constant 0 : i32
    return %arg0, %c0_i32 : i32, i32
  }
  func.func @transform_1(%arg0: i32) -> (i32, i32) {
    %c0_i32 = arith.constant 0 : i32
    %c0_i32_0 = arith.constant 0 : i32
    return %arg0, %c0_i32 : i32, i32
  }
  func.func @transform_2(%arg0: i32) -> i32 {
    %c0_i32 = arith.constant 0 : i32
    return %arg0 : i32
  }
  func.func @transform_3(%arg0: i32) -> (i32, i32) {
    %c0_i32 = arith.constant 0 : i32
    %c0_i32_0 = arith.constant 0 : i32
    %c0_i32_1 = arith.constant 0 : i32
    return %c0_i32, %c0_i32_0 : i32, i32
  }
  func.func @transform_4(%arg0: i32) -> (i32, i32) {
    %c0_i32 = arith.constant 0 : i32
    %c0_i32_0 = arith.constant 0 : i32
    %c0_i32_1 = arith.constant 0 : i32
    return %c0_i32, %c0_i32_0 : i32, i32
  }
  func.func @transform_5(%arg0: i32) -> (i32, i32) {
    %c0_i32 = arith.constant 0 : i32
    %c0_i32_0 = arith.constant 0 : i32
    return %arg0, %c0_i32 : i32, i32
  }
}

module attributes {stable_mosaic.version = 14 : i64} {
  func.func @_final_body(%arg0: i32, %arg1: memref<1024x128xf32, #tpu.memory_space<vmem>>, %arg2: memref<1024x128xf32, #tpu.memory_space<vmem>>, %arg3: memref<1024xf32, #tpu.memory_space<vmem>>, %arg4: memref<1x128xf32, #tpu.memory_space<vmem>>, %arg5: memref<1024x128xf32, #tpu.memory_space<vmem>>) attributes {dimension_semantics = [#tpu.dimension_semantics<arbitrary>], iteration_bounds = array<i64: 10>, scalar_prefetch = 0 : i64, scratch_operands = 0 : i64, tpu.core_type = #tpu.core_type<tc>, window_params = [{transform_indices = @transform_0, window_bounds = array<i64: 1024, 128>}, {transform_indices = @transform_1, window_bounds = array<i64: 1024, 128>}, {transform_indices = @transform_2, window_bounds = array<i64: 1024>}, {pipeline_mode = #tpu.pipeline_mode<synchronous>, transform_indices = @transform_3, window_bounds = array<i64: 1, 128>}, {transform_indices = @transform_4, window_bounds = array<i64: 1024, 128>}]} {
    %get3A = arith.constant 0 : index
    %get3A_0 = arith.constant 0 : index
    %get3A_1 = vector.load %arg1[%get3A, %get3A_0] : memref<1024x128xf32, #tpu.memory_space<vmem>>, vector<1024x128xf32>
    %get3A_2 = arith.constant 0 : index
    %get3A_3 = arith.constant 0 : index
    %get3A_4 = vector.load %arg2[%get3A_2, %get3A_3] : memref<1024x128xf32, #tpu.memory_space<vmem>>, vector<1024x128xf32>
    %add3A = arith.addf %get3A_1, %get3A_4 : vector<1024x128xf32>
    %get3A_5 = arith.constant 0 : index
    %get3A_6 = vector.load %arg3[%get3A_5] : memref<1024xf32, #tpu.memory_space<vmem>>, vector<1024xf32>
    %broadcast_in_dim3A = vector.shape_cast %get3A_6 : vector<1024xf32> to vector<1024x1xf32>
    %mul3A = vector.broadcast %broadcast_in_dim3A : vector<1024x1xf32> to vector<1024x128xf32>
    %mul3A_7 = arith.mulf %add3A, %mul3A : vector<1024x128xf32>
    %get3A_8 = arith.constant 0 : index
    %get3A_9 = arith.constant 0 : index
    %get3A_10 = vector.load %arg4[%get3A_8, %get3A_9] : memref<1x128xf32, #tpu.memory_space<vmem>>, vector<1x128xf32>
    %add3A_11 = vector.broadcast %get3A_10 : vector<1x128xf32> to vector<1024x128xf32>
    %add3A_12 = arith.addf %mul3A_7, %add3A_11 : vector<1024x128xf32>
    %swap3A = arith.constant 0 : index
    %swap3A_13 = arith.constant 0 : index
    %swap3A_14 = vector.load %arg5[%swap3A, %swap3A_13] : memref<1024x128xf32, #tpu.memory_space<vmem>>, vector<1024x128xf32>
    tpu.vector_store %arg5[%swap3A, %swap3A_13], %add3A_12 {strides = array<i32>} : memref<1024x128xf32, #tpu.memory_space<vmem>>, vector<1024x128xf32>,
    return
  }
  func.func @transform_0(%arg0: i32) -> (i32, i32) {
    %c0_i32 = arith.constant 0 : i32
    %c0_i32_0 = arith.constant 0 : i32
    return %arg0, %c0_i32 : i32, i32
  }
  func.func @transform_1(%arg0: i32) -> (i32, i32) {
    %c0_i32 = arith.constant 0 : i32
    %c0_i32_0 = arith.constant 0 : i32
    return %arg0, %c0_i32 : i32, i32
  }
  func.func @transform_2(%arg0: i32) -> i32 {
    %c0_i32 = arith.constant 0 : i32
    return %arg0 : i32
  }
  func.func @transform_3(%arg0: i32) -> (i32, i32) {
    %c0_i32 = arith.constant 0 : i32
    %c0_i32_0 = arith.constant 0 : i32
    %c0_i32_1 = arith.constant 0 : i32
    return %c0_i32, %c0_i32_0 : i32, i32
  }
  func.func @transform_4(%arg0: i32) -> (i32, i32) {
    %c0_i32 = arith.constant 0 : i32
    %c0_i32_0 = arith.constant 0 : i32
    return %arg0, %c0_i32 : i32, i32
  }
}

</mosaic_0001>

<sc_bundles>
// kernel: kernel.12.cloned.1.call-start
scs
__scs_entry_jumppad:
0x0: {  	(pc) =	sbr.rel $0x88, $3  }
0x1: {  	(tag) =	ssettag $0x0;
	lr =	simm.s32 $0x1  }
0x2: {  	[smem:$0x3F9B] =	sst lr;
	_ =	strace $0xD0000000  }
0x3: {  	_ = 	snop  }
0x4: {  	_ = 	snop  }
0x5: {  	_ = 	snop  }
0x6: {  	_ = 	snop  }
0x7: {  	_ = 	snop  }
__scs_overlays_trampoline_lowered:
0x8: {  	[smem:$0x3FAA] =	sst s0  }
0x9: {  	[smem:$0x3FAB] =	sst s1  }
0xa: {  	[smem:$0x3FAC] =	sst s2  }
0xb: {  	[smem:$0x3FAD] =	sst s3  }
0xc: {  	[smem:$0x3FAE] =	sst s4  }
0xd: {  	[smem:$0x3FAF] =	sst s5  }
0xe: {  	[smem:$0x3FB0] =	sst s6  }
0xf: {  	[smem:$0x3FB1] =	sst s7  }
0x10: {  	[smem:$0x3FB2] =	sst s8  }
0x11: {  	[smem:$0x3FB3] =	sst s9;
	s0 =	simm.s32 @!p0 $0x0  }
0x12: {  	s1 =	sld [smem:$0x3F99];
	s0 =	simm.s32 @p0 $0x1  }
0x13: {  	[smem:$0x3FB4] =	sst s0;
	s0 =	simm.s32 @!p1 $0x0  }
0x14: {  	s2 =	sld [smem:$0x3F98];
	s0 =	simm.s32 @p1 $0x1  }
0x15: {  	[smem:$0x3FB5] =	sst s0;
	s0 =	simm.s32 @!p2 $0x0  }
0x16: {  	s3 =	sld [smem:$0x3FDB];
	s0 =	simm.s32 @p2 $0x1  }
0x17: {  	s4 =	simm.s32 $0x1BF5;
	[smem:$0x3FB7] =	sst s0  }
0x18: {  	s0 =	sld [smem:$0x3F9A];
	_ =	swait.ge [sflag:s4], $0x0  }
0x19: {  	s7 =	sld [smem:$0x3F9B]  }
0x1a: {  	s8 =	sadd.s32 $0xFFFFE003, lr  }
0x1b: {  	s9 =	sadd.s32 $0xFFFFFEF7, lr;
	s5 =	simm.s32 $0xFFFFFFFF;
	p2 =	slt.u32 s8, $0xFFFFF086  }
0x1c: {  	p1 =	slt.u32 s9, $0xF7A;
	s5 =	simm.s32 @!p2 $0x0  }
0x1d: {  	s5 =	simm.s32 @p1 $0x1;
	p0 =	seq.s32 s7, s2  }
0x1e: {  	s7 =	smul.u32 @!p0 $0xF7A, s2;
	p2 =	seq.s32 @!p0 s5, $0x0  }
0x1f: {  	s9 =	smul.u32 $0xF7A, s1;
	s8 =	simm.s32 @!p0 $0x1BF5;
	p2 =	por !p2, p0  }
0x20: {  	[sflag:s8] =	ssyncset.s32 @!p0 $0xFFFFF086;
	s6 =	sadd.s32 @!p0 s3, s7;
	s7 =	simm.s32 @!p0 $0x108  }
0x21: {  	s3 =	sadd.s32 s3, s9;
	s6 =	sadd.s32 @!p0 $0x88, s6;
	s7 =	simm.s32 @p2 $0x1082  }
0x22: {  	[simem:s7], [sflag:s8] =	dma.local @!p0 [hbm:s6], $0xF7A  }
0x23: {  	s9 =	sor.u32 $0xD0000000, s2;
	s6 =	simm.s32 $0x108;
	_ =	swait.ge @!p0 [sflag:s8], $0x0  }
0x24: {  	s3 =	sadd.s32 $0x88, s3;
	s6 =	simm.s32 @!p1 $0x1082;
	[sflag:s4] =	ssyncset.s32 $0xFFFFF086  }
0x25: {  	[simem:s6], [sflag:s4] =	dma.local [hbm:s3], $0xF7A  }
0x26: {  	[smem:$0x3F9B] =	sst s1;
	(tag) =	ssettag s2;
	_ =	strace s9  }
0x27: {  	s1 =	sld [smem:$0x3FAB]  }
0x28: {  	s2 =	sld [smem:$0x3FAC]  }
0x29: {  	s4 =	sld [smem:$0x3FAE]  }
0x2a: {  	p0 =	seq.s32 s5, $0x0;
	s5 =	sld [smem:$0x3FAF]  }
0x2b: {  	s6 =	sld [smem:$0x3FB0]  }
0x2c: {  	s7 =	sld [smem:$0x3FB1]  }
0x2d: {  	s3 =	simm.s32 $0x108;
	s8 =	sld [smem:$0x3FB2]  }
0x2e: {  	s3 =	simm.s32 @!p0 $0x1082;
	s9 =	sld [smem:$0x3FB3]  }
0x2f: {  	lr =	sadd.s32 s0, s3;
	s0 =	sld [smem:$0x3FAA]  }
0x30: {  	s3 =	sld [smem:$0x3FAD]  }
0x31: {  	[smem:$0x3FB6] =	sst s10  }
0x32: {  	s10 =	sld [smem:$0x3FB4];
	_ =	sdelay $0x3  }
0x33: {  	p0 =	seq.s32 s10, $0x1;
	s10 =	sld [smem:$0x3FB6];
	_ =	sdelay $0x3  }
0x34: {  	[smem:$0x3FB6] =	sst s10  }
0x35: {  	s10 =	sld [smem:$0x3FB5];
	_ =	sdelay $0x3  }
0x36: {  	p1 =	seq.s32 s10, $0x1;
	s10 =	sld [smem:$0x3FB6];
	_ =	sdelay $0x3  }
0x37: {  	[smem:$0x3FB6] =	sst s10  }
0x38: {  	s10 =	sld [smem:$0x3FB7]  }
0x39: {  	_ = 	snop;
	(pc) =	sbr.ind lr, $3  }
0x3a: {  	_ = 	snop  }
0x3b: {  	_ = 	snop  }
0x3c: {  	p2 =	seq.s32 s10, $0x1;
	s10 =	sld [smem:$0x3FB6]  }
0x3d: {  	_ =	shalt  }
0x3e: {  	_ =	shalt  }
0x3f: {  	_ =	shalt  }
0x40: {  	_ =	shalt  }
0x41: {  	_ =	shalt  }
0x42: {  	_ =	shalt  }
0x43: {  	_ =	shalt  }
0x44: {  	_ =	shalt  }
0x45: {  	_ =	shalt  }
0x46: {  	_ =	shalt  }
0x47: {  	_ =	shalt  }
0x48: {  	_ =	shalt  }
0x49: {  	_ =	shalt  }
0x4a: {  	_ =	shalt  }
0x4b: {  	_ =	shalt  }
0x4c: {  	_ =	shalt  }
0x4d: {  	_ =	shalt  }
0x4e: {  	_ =	shalt  }
0x4f: {  	_ =	shalt  }
0x50: {  	_ =	shalt  }
0x51: {  	_ =	shalt  }
0x52: {  	_ =	shalt  }
0x53: {  	_ =	shalt  }
0x54: {  	_ =	shalt  }
0x55: {  	_ =	shalt  }
0x56: {  	_ =	shalt  }
0x57: {  	_ =	shalt  }
0x58: {  	_ =	shalt  }
0x59: {  	_ =	shalt  }
0x5a: {  	_ =	shalt  }
0x5b: {  	_ =	shalt  }
0x5c: {  	_ =	shalt  }
0x5d: {  	_ =	shalt  }
0x5e: {  	_ =	shalt  }
0x5f: {  	_ =	shalt  }
0x60: {  	_ =	shalt  }
0x61: {  	_ =	shalt  }
0x62: {  	_ =	shalt  }
0x63: {  	_ =	shalt  }
0x64: {  	_ =	shalt  }
0x65: {  	_ =	shalt  }
0x66: {  	_ =	shalt  }
0x67: {  	_ =	shalt  }
0x68: {  	_ =	shalt  }
0x69: {  	_ =	shalt  }
0x6a: {  	_ =	shalt  }
0x6b: {  	_ =	shalt  }
0x6c: {  	_ =	shalt  }
0x6d: {  	_ =	shalt  }
0x6e: {  	_ =	shalt  }
0x6f: {  	_ =	shalt  }
0x70: {  	_ =	shalt  }
0x71: {  	_ =	shalt  }
0x72: {  	_ =	shalt  }
0x73: {  	_ =	shalt  }
0x74: {  	_ =	shalt  }
0x75: {  	_ =	shalt  }
0x76: {  	_ =	shalt  }
0x77: {  	_ =	shalt  }
0x78: {  	_ =	shalt  }
0x79: {  	_ =	shalt  }
0x7a: {  	_ =	shalt  }
0x7b: {  	_ =	shalt  }
0x7c: {  	_ =	shalt  }
0x7d: {  	_ =	shalt  }
0x7e: {  	_ =	shalt  }
0x7f: {  	_ =	shalt  }
0x80: {  	_ =	shalt  }
0x81: {  	_ =	shalt  }
0x82: {  	_ =	shalt  }
0x83: {  	_ =	shalt  }
0x84: {  	_ =	shalt  }
0x85: {  	_ =	shalt  }
0x86: {  	_ =	shalt  }
0x87: {  	_ =	shalt  }
.Lfunc_end0:
.L_simem_size_0:
called_computation.1_lowered:
.L_overlay_start_0:
0x88: {  	s2 =	sld [smem:$0x3FD9]  }
0x89: {  	s3 =	sld [smem:$0x3FFE];
	_ =	sdelay $0x1  }
0x8a: {  	s1 =	srdreg.scid  }
0x8b: {  	s0 =	sand.u32 $0x1, s1  }
0x8c: {  	s17 =	sshll.u32 s0, $0xA;
	s2 =	sadd.s32 s3, s2  }
0x8d: {  	s2 =	sadd.s32 s2, s17  }
0x8e: {  	[smem:$0x3FC2] =	sst s2  }
0x8f: {  	_ = 	snop  }
0x90: {  	s2 =	sld [smem:$0x3FD0];
	(tm) =	ssettm $0x1  }
0x91: {  	s18 =	sld [smem:$0x3FFB];
	_ =	sdelay $0x3  }
0x92: {  	_ =	strace s18  }
0x93: {  	s3 =	sld [smem:$0x3FFC];
	_ =	sdelay $0x3  }
0x94: {  	_ =	strace s3  }
0x95: {  	s3 =	sld [smem:$0x3FFD];
	_ =	sdelay $0x3  }
0x96: {  	_ =	strace s3  }
0x97: {  	_ =	strace $0x8FFFFFFF  }
0x98: {  	s19 =	sld [smem:$0x3FDB];
	_ =	sdelay $0x1  }
0x99: {  	s4 =	simm.s32 $_scs_section_size  }
0x9a: {  	s5 =	simm.s32 $_size__tile_overlayer_lowered;
	s6 =	simm.s32 $_tile_overlayer_lowered  }
0x9b: {  	s22 =	simm.s32 $0x1BFF;
	s21 =	sshll.u32 s6, $0x1;
	s3 =	sadd.s32 s4, s19  }
0x9c: {  	s7 =	simm.s32 $0x0;
	s20 =	sshll.u32 s5, $0x1;
	s5 =	sadd.s32 s21, s3  }
0x9d: {  	[timem:s7], [sflag:s22] =	dma.local [hbm:s5], s20  }
0x9e: {  	_ =	swait.ge [sflag:s22], s20  }
0x9f: {  	s4 =	ssub.s32 $0x0, s20;
	[sflag:s22] =	ssyncset.done $0x0  }
0xa0: {  	[sflag:s22] =	ssyncadd.s32 s4;
	_ =	sdelay $0x1  }
0xa1: {  	s23 =	simm.s32 $0x1B8B  }
0xa2: {  	_ =	swait.ge [sflag:s23], $0x1  }
0xa3: {  	[sflag:s23] =	ssyncset.done $0x0  }
0xa4: {  	s25 =	simm.s32 $0x1B8E;
	s24 =	sld [smem:$0x3FFE];
	[sflag:s23] =	ssyncadd.s32 $0xFFFFFFFF  }
0xa5: {  	s26 =	simm.s32 $execute0_lowered;
	[smem:$0x3FD2] =	sst s25  }
0xa6: {  	s5 =	sshll.u32 s26, $0x1;
	_ =	strace $0x80000049;
	[dreg:$0x1] =	wrdreg $0xFFFFFFFF  }
0xa7: {  	s28 =	simm.s32 $_size_execute0_lowered;
	s3 =	sadd.s32 s3, s5;
	[dreg:$0x0] =	wrdreg $0x0  }
0xa8: {  	s5 =	sshll.u32 s28, $0x1;
	[dreg:$0x2] =	wrdreg s3  }
0xa9: {  	[dreg:$0x3] =	wrdreg s5  }
0xaa: {  	[dreg:$0x4] =	wrdreg $0xC0  }
0xab: {  	_ =	task [dreg:s7], $0x5FFFF  }
0xac: {  	[dreg:$0x1] =	wrdreg $0xFFFFFFFF  }
0xad: {  	[dreg:$0x0] =	wrdreg $0x60  }
0xae: {  	[dreg:$0x2] =	wrdreg s24  }
0xaf: {  	[dreg:$0x3] =	wrdreg s2  }
0xb0: {  	[dreg:$0x4] =	wrdreg $0x0  }
0xb1: {  	[dreg:$0x5] =	wrdreg $0x9  }
0xb2: {  	_ =	task.clear_ibuf [dreg:s7], $0x6FFFF;
	_ =	strace $0x90000049  }
0xb3: {  	s29 =	simm.s32 $0x9;
	_ =	strace $0x8000004B  }
0xb4: {  	_ =	swait.ge [sflag:s29], $0x1  }
0xb5: {  	[sflag:s29] =	ssyncadd.s32 $0xFFFFFFFF  }
0xb6: {  	_ =	strace $0x9000004B  }
0xb7: {  	_ =	sfence  }
0xb8: {  	s30 =	sld [smem:$0x0];
	_ =	sdelay $0x2  }
0xb9: {  	s31 =	sshll.u32 s1, $0xD;
	s1 =	sshrl.u32 s1, $0x2  }
0xba: {  	s3 =	sand.u32 $0x4000, s31;
	s1 =	sadd.s32 s1, s30  }
0xbb: {  	s0 =	sor.u32 s3, s0;
	s1 =	sshll.u32 s1, $0x11  }
0xbc: {  	s0 =	sor.u32 s1, s0  }
0xbd: {  	s0 =	sadd.s32 $0x8F2B, s0  }
0xbe: {  	[sflag:s0] =	ssyncadd.remote.s32 $0x1  }
0xbf: {  	_ =	sfence.sel $0xFFFF  }
0xc0: {  	[dreg:$0x0] =	wrdreg $0xFFFFFFFF;
	(pc) =	sbr.abs _section_cstart, $3  }
0xc1: {  	[dreg:$0x1] =	wrdreg $0xFFFFFFFF  }
0xc2: {  	_ =	task.clear_ibuf [dreg:s7], $0x2FFFF;
	_ =	strace $0x9FFFFFFF  }
0xc3: {  	(tm) =	ssettm $0x7FFFFFFF  }
tec
execute0_lowered:
.L_overlay_start_1:
0x0: {  	(tag) =	ssettag $0x1  }
0x1: {  	s0 =	rddreg [dreg:$0x0]  }
0x2: {  	s1 =	rddreg [dreg:$0x1]  }
0x3: {  	s2 =	rddreg [dreg:$0x2];
	s3 =	simm.s32 $0x0  }
0x4: {  	s12 =	stileid.u32;
	s7 =	srdreg.scid;
	s28 =	simm.s32 $0x18200  }
0x5: {  	s29 =	simm.s32 $0x14100;
	s30 =	simm.s32 $0x1;
	s4 =	smul.u32 $0x2800, s12  }
0x6: {  	s31 =	simm.s32 $0x14180;
	[smem:$0x7FF] =	sst s3;
	s8 =	smul.u32 $0x50000, s12  }
0x7: {  	s5 =	sadd.s32 $0xE800, s0;
	s6 =	sadd.s32 $0x4A00, s0;
	s11 =	smul.u32 $0x3A00, s12  }
0x8: {  	s7 =	sand.u32 $0x1, s7;
	s10 =	sadd.s32 $0x5E800, s0;
	s23 =	smul.u32 $0x2A0, s12  }
0x9: {  	s25 =	smul.u32 $0x740, s12;
	_ =	strace $0x8000004A;
	[dreg:$0x4] =	wrdreg s10  }
0xa: {  	s17 =	ssub.s32 $0x2, s7;
	p0 =	seq.s32 s7, $0x0;
	s9 =	sadd.s32 s4, s0  }
0xb: {  	s0 =	sadd.s32 $0x86800, s0;
	s18 =	sshrl.u32 s17, $0x1;
	s8 =	sshrl.u32 s8, $0x2  }
0xc: {  	s19 =	sshrl.u32 s11, $0x3;
	s20 =	sadd.s32 s5, s4;
	s26 =	sadd.s32 s23, s1  }
0xd: {  	s10 =	sadd.s32 s23, s6;
	s23 =	simm.s32 $0x14000;
	[dreg:$0x5] =	wrdreg s0  }
0xe: {  	s0 =	ssub.s32 s17, s18;
	s8 =	sadd.s32 s8, s2;
	s9 =	sadd.s32 $0x36800, s9  }
0xf: {  	[dreg:$0x7] =	wrdreg s20;
	s11 =	sadd.s32 s6, s19;
	s22 =	sadd.s32 s1, s19  }
0x10: {  	s16 =	sadd.s32 $0x7400, s26;
	s17 =	sadd.s32 $0x7400, s10;
	s18 =	sadd.s32 s25, s6  }
0x11: {  	s19 =	sadd.s32 s25, s1;
	s20 =	sshll.u32 s12, $0x6;
	s25 =	simm.s32 $0x14200  }
.Ltmp0:
0x12: {  	s26 =	simm.s32 $0x14080;
	s1 =	simm.s32 $0x0;
	(pc) =	sbr.rel .LBB2_1-.Ltmp0, $4  }
0x13: {  	[dreg:$0x6] =	wrdreg s9;
	s21 =	sadd.s32 $0x10, s11;
	s13 =	smax.u32 s0, $0x1  }
0x14: {  	s24 =	sadd.s32 $0x720, s22;
	s9 =	sadd.s32 $0x730, s22;
	[dreg:$0x8] =	wrdreg s21  }
0x15: {  	s7 =	sor.u32 $0x1C03, s20;
	s22 =	simm.s32 $0x3;
	[dreg:$0x9] =	wrdreg s24  }
0x16: {  	s0 =	simm.s32 $0x2;
	[dreg:$0xa] =	wrdreg s9;
	s24 =	simm.s32 $0x80  }
.LBB2_7:
0x17: {  	[tilespmem:s28], [sflag:$0x2] =	stream.indirect.gather [hbm4b:s5+s24], $0x80, s26, s24, $0xb8;
	[tilespmem:$0x1C200] =	vst v63  }
0x18: {  	s9 =	rddreg [dreg:$0x9]  }
0x19: {  	[tilespmem:s29], [sflag:$0x3] =	stream.linear.gather [hbm4b:s9+s3], $0x80, $0x38;
	[tilespmem:$0x1C200] =	vst v63  }
0x1a: {  	_ =	swait.ge [sflag:s22], $0x80  }
0x1b: {  	[sflag:s22] =	ssyncset.done $0x0  }
0x1c: {  	[sflag:s22] =	ssyncadd.s32 $0xFFFFFF80  }
0x1d: {  	_ =	swait.ge [sflag:s30], $0x4000  }
0x1e: {  	[sflag:s30] =	ssyncset.done $0x0  }
0x1f: {  	[sflag:s30] =	ssyncadd.s32 $0xFFFFC000  }
0x20: {  	[spmem:s2] =	stream.indirect.scatter.add.f32 [tilespmem:s25], [sflag:$0x3], $0x80, s29, s24, $0xb8;
	[tilespmem:$0x1C200] =	vst v63  }
0x21: {  	_ =	swait.ge [sflag:s22], $0x4000  }
0x22: {  	[sflag:s22] =	ssyncset.done $0x0  }
0x23: {  	s21 =	rddreg [dreg:$0xa];
	[sflag:s22] =	ssyncadd.s32 $0xFFFFC000  }
0x24: {  	[tilespmem:s31], [sflag:$0x3] =	stream.linear.gather [hbm4b:s21+s3], $0x80, $0x38;
	[tilespmem:$0x1C200] =	vst v63  }
0x25: {  	_ =	swait.ge [sflag:s22], $0x80  }
0x26: {  	[sflag:s22] =	ssyncset.done $0x0  }
0x27: {  	[sflag:s22] =	ssyncadd.s32 $0xFFFFFF80  }
0x28: {  	_ =	swait.ge [sflag:s0], $0x4000  }
0x29: {  	[sflag:s0] =	ssyncset.done $0x0  }
0x2a: {  	[sflag:s0] =	ssyncadd.s32 $0xFFFFC000  }
0x2b: {  	[spmem:s2] =	stream.indirect.scatter.add.f32 [tilespmem:s28], [sflag:$0x3], $0x80, s31, s24, $0xb8;
	[tilespmem:$0x1C200] =	vst v63  }
0x2c: {  	_ =	swait.ge [sflag:s22], $0x4000  }
0x2d: {  	[sflag:s22] =	ssyncset.done $0x0  }
0x2e: {  	s21 =	smov.u32 s7;
	s9 =	rddreg [dreg:$0x4];
	[sflag:s22] =	ssyncadd.s32 $0xFFFFC000  }
.LBB2_8:
0x2f: {  	s1 =	sadd.s32 $0x1, s1  }
0x30: {  	p1 =	sne.s32 s1, s13  }
.Ltmp1:
0x31: {  	s9 =	sadd.s32 s9, s4;
	[bflag:$0x0] =	sbarrier.arrive $0xFFFF;
	(pc) =	sbr.rel @!p1 .LBB2_9-.Ltmp1, $4  }
0x32: {  	[hbm:s9], [sflag:s21] =	dma.local [spmem:s6], $0x2800  }
0x33: {  	_ =	swait.ge [sflag:s22], $0x2800  }
0x34: {  	[sflag:s22] =	ssyncset.done $0x0  }
0x35: {  	[sflag:s22] =	ssyncadd.s32 $0xFFFFD800  }
.LBB2_1:
.Ltmp2:
0x36: {  	(pc) =	sbr.rel @!p0 .LBB2_2-.Ltmp2, $2  }
0x37: {  	_ =	sdelay $0x2  }
0x38: {  	s6 =	sshrl.u32 s8, $0x3  }
0x39: {  	s9 =	rddreg [dreg:$0x7]  }
0x3a: {  	[spmem:s6], [sflag:s7] =	dma.local [hbm:s9], $0x2800  }
0x3b: {  	_ =	swait.ge [sflag:s22], $0x2800  }
0x3c: {  	[sflag:s22] =	ssyncset.done $0x0  }
0x3d: {  	[sflag:s22] =	ssyncadd.s32 $0xFFFFD800  }
0x3e: {  	s12 =	simm.s32 $0x0;
	[bflag:$0x0] =	sbarrier.arrive $0xFFFF  }
0x3f: {  	[tilespmem:s23], [sflag:$0x3] =	stream.linear.gather [hbm4b:s11+s12], $0x80, $0x38;
	[tilespmem:$0x1C200] =	vst v63  }
0x40: {  	_ =	swait.ge [sflag:s22], $0x80  }
0x41: {  	[sflag:s22] =	ssyncset.done $0x0  }
0x42: {  	[sflag:s22] =	ssyncadd.s32 $0xFFFFFF80  }
0x43: {  	[tilespmem:s25], [sflag:$0x1] =	stream.indirect.gather [hbm4b:s5+s24], $0x80, s23, s24, $0xb8;
	[tilespmem:$0x1C200] =	vst v63  }
0x44: {  	s10 =	rddreg [dreg:$0x8]  }
0x45: {  	[tilespmem:s26], [sflag:$0x3] =	stream.linear.gather [hbm4b:s10+s12], $0x80, $0x38;
	[tilespmem:$0x1C200] =	vst v63  }
0x46: {  	_ =	swait.ge [sflag:s22], $0x80  }
0x47: {  	[sflag:s22] =	ssyncset.done $0x0  }
0x48: {  	[sflag:s22] =	ssyncadd.s32 $0xFFFFFF80  }
0x49: {  	[tilespmem:s28], [sflag:$0x2] =	stream.indirect.gather [hbm4b:s5+s24], $0x80, s26, s24, $0xb8;
	[tilespmem:$0x1C200] =	vst v63  }
0x4a: {  	s14 =	sadd.s32 $0x0, s19  }
0x4b: {  	[tilespmem:s29], [sflag:$0x3] =	stream.linear.gather [hbm4b:s14+s3], $0x80, $0x38;
	[tilespmem:$0x1C200] =	vst v63  }
0x4c: {  	_ =	swait.ge [sflag:s22], $0x80  }
0x4d: {  	[sflag:s22] =	ssyncset.done $0x0  }
0x4e: {  	[sflag:s22] =	ssyncadd.s32 $0xFFFFFF80  }
0x4f: {  	_ =	swait.ge [sflag:s30], $0x4000  }
0x50: {  	[sflag:s30] =	ssyncset.done $0x0  }
0x51: {  	[sflag:s30] =	ssyncadd.s32 $0xFFFFC000  }
0x52: {  	[spmem:s2] =	stream.indirect.scatter.add.f32 [tilespmem:s25], [sflag:$0x3], $0x80, s29, s24, $0xb8;
	[tilespmem:$0x1C200] =	vst v63  }
0x53: {  	_ =	swait.ge [sflag:s22], $0x4000  }
0x54: {  	s15 =	sadd.s32 $0x0, s18;
	[sflag:s22] =	ssyncset.done $0x0  }
0x55: {  	s21 =	sadd.s32 $0x20, s15;
	[sflag:s22] =	ssyncadd.s32 $0xFFFFC000  }
0x56: {  	[tilespmem:s23], [sflag:$0x3] =	stream.linear.gather [hbm4b:s21+s3], $0x80, $0x38;
	[tilespmem:$0x1C200] =	vst v63  }
0x57: {  	_ =	swait.ge [sflag:s22], $0x80  }
0x58: {  	[sflag:s22] =	ssyncset.done $0x0  }
0x59: {  	[sflag:s22] =	ssyncadd.s32 $0xFFFFFF80  }
0x5a: {  	[tilespmem:s25], [sflag:$0x1] =	stream.indirect.gather [hbm4b:s5+s24], $0x80, s23, s24, $0xb8;
	[tilespmem:$0x1C200] =	vst v63  }
0x5b: {  	s9 =	sadd.s32 $0x10, s14  }
0x5c: {  	[tilespmem:s31], [sflag:$0x3] =	stream.linear.gather [hbm4b:s9+s3], $0x80, $0x38;
	[tilespmem:$0x1C200] =	vst v63  }
0x5d: {  	_ =	swait.ge [sflag:s22], $0x80  }
0x5e: {  	[sflag:s22] =	ssyncset.done $0x0  }
0x5f: {  	[sflag:s22] =	ssyncadd.s32 $0xFFFFFF80  }
0x60: {  	_ =	swait.ge [sflag:s0], $0x4000  }
0x61: {  	[sflag:s0] =	ssyncset.done $0x0  }
0x62: {  	[sflag:s0] =	ssyncadd.s32 $0xFFFFC000  }
0x63: {  	[spmem:s2] =	stream.indirect.scatter.add.f32 [tilespmem:s28], [sflag:$0x3], $0x80, s31, s24, $0xb8;
	[tilespmem:$0x1C200] =	vst v63  }
0x64: {  	_ =	swait.ge [sflag:s22], $0x4000  }
0x65: {  	[sflag:s22] =	ssyncset.done $0x0  }
0x66: {  	s21 =	sadd.s32 $0x30, s15;
	[sflag:s22] =	ssyncadd.s32 $0xFFFFC000  }
0x67: {  	[tilespmem:s26], [sflag:$0x3] =	stream.linear.gather [hbm4b:s21+s3], $0x80, $0x38;
	[tilespmem:$0x1C200] =	vst v63  }
0x68: {  	_ =	swait.ge [sflag:s22], $0x80  }
0x69: {  	[sflag:s22] =	ssyncset.done $0x0  }
0x6a: {  	s21 =	simm.s32 $0x20;
	[sflag:s22] =	ssyncadd.s32 $0xFFFFFF80  }
.LBB2_6:
0x6b: {  	[tilespmem:s28], [sflag:$0x2] =	stream.indirect.gather [hbm4b:s5+s24], $0x80, s26, s24, $0xb8;
	[tilespmem:$0x1C200] =	vst v63  }
0x6c: {  	s9 =	smov.u32 s21  }
0x6d: {  	p1 =	sne.s32 s21, $0x700;
	s21 =	sadd.s32 $0x20, s21;
	s10 =	sadd.s32 s9, s19  }
0x6e: {  	[tilespmem:s29], [sflag:$0x3] =	stream.linear.gather [hbm4b:s10+s3], $0x80, $0x38;
	[tilespmem:$0x1C200] =	vst v63  }
0x6f: {  	_ =	swait.ge [sflag:s22], $0x80  }
0x70: {  	[sflag:s22] =	ssyncset.done $0x0  }
0x71: {  	[sflag:s22] =	ssyncadd.s32 $0xFFFFFF80  }
0x72: {  	_ =	swait.ge [sflag:s30], $0x4000  }
0x73: {  	[sflag:s30] =	ssyncset.done $0x0  }
0x74: {  	[sflag:s30] =	ssyncadd.s32 $0xFFFFC000  }
0x75: {  	[spmem:s2] =	stream.indirect.scatter.add.f32 [tilespmem:s25], [sflag:$0x3], $0x80, s29, s24, $0xb8;
	[tilespmem:$0x1C200] =	vst v63  }
0x76: {  	_ =	swait.ge [sflag:s22], $0x4000  }
0x77: {  	s9 =	sadd.s32 s9, s18;
	[sflag:s22] =	ssyncset.done $0x0  }
0x78: {  	s12 =	sadd.s32 $0x20, s9;
	[sflag:s22] =	ssyncadd.s32 $0xFFFFC000  }
0x79: {  	[tilespmem:s23], [sflag:$0x3] =	stream.linear.gather [hbm4b:s12+s3], $0x80, $0x38;
	[tilespmem:$0x1C200] =	vst v63  }
0x7a: {  	_ =	swait.ge [sflag:s22], $0x80  }
0x7b: {  	[sflag:s22] =	ssyncset.done $0x0  }
0x7c: {  	[sflag:s22] =	ssyncadd.s32 $0xFFFFFF80  }
0x7d: {  	[tilespmem:s25], [sflag:$0x1] =	stream.indirect.gather [hbm4b:s5+s24], $0x80, s23, s24, $0xb8;
	[tilespmem:$0x1C200] =	vst v63  }
0x7e: {  	s10 =	sadd.s32 $0x10, s10  }
0x7f: {  	[tilespmem:s31], [sflag:$0x3] =	stream.linear.gather [hbm4b:s10+s3], $0x80, $0x38;
	[tilespmem:$0x1C200] =	vst v63  }
0x80: {  	_ =	swait.ge [sflag:s22], $0x80  }
0x81: {  	[sflag:s22] =	ssyncset.done $0x0  }
0x82: {  	[sflag:s22] =	ssyncadd.s32 $0xFFFFFF80  }
0x83: {  	_ =	swait.ge [sflag:s0], $0x4000  }
0x84: {  	[sflag:s0] =	ssyncset.done $0x0  }
0x85: {  	[sflag:s0] =	ssyncadd.s32 $0xFFFFC000  }
0x86: {  	[spmem:s2] =	stream.indirect.scatter.add.f32 [tilespmem:s28], [sflag:$0x3], $0x80, s31, s24, $0xb8;
	[tilespmem:$0x1C200] =	vst v63  }
0x87: {  	_ =	swait.ge [sflag:s22], $0x4000  }
0x88: {  	[sflag:s22] =	ssyncset.done $0x0  }
.Ltmp3:
0x89: {  	s9 =	sadd.s32 $0x30, s9;
	[sflag:s22] =	ssyncadd.s32 $0xFFFFC000;
	(pc) =	sbr.rel @p1 .LBB2_6-.Ltmp3, $4  }
0x8a: {  	[tilespmem:s26], [sflag:$0x3] =	stream.linear.gather [hbm4b:s9+s3], $0x80, $0x38;
	[tilespmem:$0x1C200] =	vst v63  }
0x8b: {  	_ =	swait.ge [sflag:s22], $0x80  }
0x8c: {  	[sflag:s22] =	ssyncset.done $0x0  }
0x8d: {  	[sflag:s22] =	ssyncadd.s32 $0xFFFFFF80  }
.Ltmp4:
0x8e: {  	_ = 	snop;
	(pc) =	sbr.rel .LBB2_7-.Ltmp4, $1  }
0x8f: {  	_ =	sdelay $0x3  }
.LBB2_2:
0x90: {  	s21 =	sor.u32 $0x1C03, s20;
	s9 =	rddreg [dreg:$0x6]  }
0x91: {  	[spmem:s6], [sflag:s21] =	dma.local [hbm:s9], $0x2800  }
0x92: {  	_ =	swait.ge [sflag:s22], $0x2800  }
0x93: {  	[sflag:s22] =	ssyncset.done $0x0  }
0x94: {  	[sflag:s22] =	ssyncadd.s32 $0xFFFFD800  }
0x95: {  	s14 =	sadd.s32 $0x0, s17;
	[bflag:$0x0] =	sbarrier.arrive $0xFFFF  }
0x96: {  	[tilespmem:s23], [sflag:$0x3] =	stream.linear.gather [hbm4b:s14+s3], $0x80, $0x38;
	[tilespmem:$0x1C200] =	vst v63  }
0x97: {  	_ =	swait.ge [sflag:s22], $0x80  }
0x98: {  	[sflag:s22] =	ssyncset.done $0x0  }
0x99: {  	[sflag:s22] =	ssyncadd.s32 $0xFFFFFF80  }
0x9a: {  	[tilespmem:s25], [sflag:$0x1] =	stream.indirect.gather [hbm4b:s5+s24], $0x80, s23, s24, $0xb8;
	[tilespmem:$0x1C200] =	vst v63  }
0x9b: {  	_ =	swait.ge [sflag:s30], $0x4000  }
0x9c: {  	[sflag:s30] =	ssyncset.done $0x0  }
0x9d: {  	s15 =	sadd.s32 $0x0, s16;
	[sflag:s30] =	ssyncadd.s32 $0xFFFFC000  }
0x9e: {  	[tilespmem:s29], [sflag:$0x3] =	stream.linear.gather [hbm4b:s15+s3], $0x80, $0x38;
	[tilespmem:$0x1C200] =	vst v63  }
0x9f: {  	_ =	swait.ge [sflag:s22], $0x80  }
0xa0: {  	[sflag:s22] =	ssyncset.done $0x0  }
0xa1: {  	[sflag:s22] =	ssyncadd.s32 $0xFFFFFF80  }
0xa2: {  	[spmem:s2] =	stream.indirect.scatter.add.f32 [tilespmem:s25], [sflag:$0x3], $0x80, s29, s24, $0xb8;
	[tilespmem:$0x1C200] =	vst v63  }
0xa3: {  	_ =	swait.ge [sflag:s22], $0x4000  }
0xa4: {  	s10 =	simm.s32 $0x20;
	s9 =	simm.s32 $0x10;
	[sflag:s22] =	ssyncset.done $0x0  }
.LBB2_3:
0xa5: {  	s12 =	sadd.s32 s9, s17  }
0xa6: {  	[sflag:s22] =	ssyncadd.s32 $0xFFFFC000;
	s14 =	smov.u32 s10;
	s15 =	sadd.s32 $0x10, s10  }
0xa7: {  	[tilespmem:s23], [sflag:$0x3] =	stream.linear.gather [hbm4b:s12+s3], $0x80, $0x38;
	[tilespmem:$0x1C200] =	vst v63  }
0xa8: {  	p1 =	sne.s32 s10, $0x290;
	_ =	swait.ge [sflag:s22], $0x80  }
0xa9: {  	[sflag:s22] =	ssyncset.done $0x0  }
0xaa: {  	[sflag:s22] =	ssyncadd.s32 $0xFFFFFF80  }
0xab: {  	[tilespmem:s25], [sflag:$0x1] =	stream.indirect.gather [hbm4b:s5+s24], $0x80, s23, s24, $0xb8;
	[tilespmem:$0x1C200] =	vst v63  }
0xac: {  	_ =	swait.ge [sflag:s30], $0x4000  }
0xad: {  	[sflag:s30] =	ssyncset.done $0x0  }
0xae: {  	s10 =	sadd.s32 s9, s16;
	s9 =	smov.u32 s14;
	[sflag:s30] =	ssyncadd.s32 $0xFFFFC000  }
0xaf: {  	[tilespmem:s29], [sflag:$0x3] =	stream.linear.gather [hbm4b:s10+s3], $0x80, $0x38;
	[tilespmem:$0x1C200] =	vst v63  }
0xb0: {  	_ =	swait.ge [sflag:s22], $0x80  }
.Ltmp5:
0xb1: {  	[sflag:s22] =	ssyncset.done $0x0;
	(pc) =	sbr.rel @p1 .LBB2_3-.Ltmp5, $4  }
0xb2: {  	[sflag:s22] =	ssyncadd.s32 $0xFFFFFF80  }
0xb3: {  	[spmem:s2] =	stream.indirect.scatter.add.f32 [tilespmem:s25], [sflag:$0x3], $0x80, s29, s24, $0xb8;
	[tilespmem:$0x1C200] =	vst v63  }
0xb4: {  	_ =	swait.ge [sflag:s22], $0x4000  }
0xb5: {  	s10 =	smov.u32 s15;
	[sflag:s22] =	ssyncset.done $0x0  }
0xb6: {  	s10 =	sadd.s32 s9, s17;
	[sflag:s22] =	ssyncadd.s32 $0xFFFFC000  }
0xb7: {  	[tilespmem:s23], [sflag:$0x3] =	stream.linear.gather [hbm4b:s10+s3], $0x80, $0x38;
	[tilespmem:$0x1C200] =	vst v63  }
0xb8: {  	_ =	swait.ge [sflag:s22], $0x80  }
0xb9: {  	[sflag:s22] =	ssyncset.done $0x0  }
0xba: {  	[sflag:s22] =	ssyncadd.s32 $0xFFFFFF80  }
0xbb: {  	[tilespmem:s25], [sflag:$0x1] =	stream.indirect.gather [hbm4b:s5+s24], $0x80, s23, s24, $0xb8;
	[tilespmem:$0x1C200] =	vst v63  }
0xbc: {  	_ =	swait.ge [sflag:s30], $0x4000  }
0xbd: {  	[sflag:s30] =	ssyncset.done $0x0  }
0xbe: {  	s15 =	sadd.s32 s9, s16;
	[sflag:s30] =	ssyncadd.s32 $0xFFFFC000  }
0xbf: {  	[tilespmem:s29], [sflag:$0x3] =	stream.linear.gather [hbm4b:s15+s3], $0x80, $0x38;
	[tilespmem:$0x1C200] =	vst v63  }
0xc0: {  	_ =	swait.ge [sflag:s22], $0x80  }
0xc1: {  	[sflag:s22] =	ssyncset.done $0x0  }
.Ltmp6:
0xc2: {  	[sflag:s22] =	ssyncadd.s32 $0xFFFFFF80;
	(pc) =	sbr.rel .LBB2_8-.Ltmp6, $4  }
0xc3: {  	[spmem:s2] =	stream.indirect.scatter.add.f32 [tilespmem:s25], [sflag:$0x3], $0x80, s29, s24, $0xb8;
	[tilespmem:$0x1C200] =	vst v63  }
0xc4: {  	_ =	swait.ge [sflag:s22], $0x4000  }
0xc5: {  	[sflag:s22] =	ssyncset.done $0x0  }
0xc6: {  	s9 =	rddreg [dreg:$0x5];
	[sflag:s22] =	ssyncadd.s32 $0xFFFFC000  }
.LBB2_9:
0xc7: {  	_ =	sfence.sel $0x180000  }
0xc8: {  	[bflag:$0x0] =	sbarrier.arrive $0xFFFF  }
0xc9: {  	_ =	strace $0x9000004A  }
0xca: {  	s0 =	stileid.u32;
	[bflag:$0x2] =	sbarrier.arrive $0xFFFF  }
0xcb: {  	p0 =	sne.s32 s0, $0x0;
	s0 =	rddreg [dreg:$0x3]  }
0xcc: {  	s0 =	sadd.s32 @!p0 $0x100000, s0  }
0xcd: {  	[sflag:s0] =	ssyncadd.tile.s32 @!p0 $0x1;
	_ =	shalt  }
.Lfunc_end2:
_tile_overlayer_lowered:
.L_overlay_start_2:
0xce: {  	(tag) =	ssettag $0x2  }
0xcf: {  	s0 =	rddreg [dreg:$0x0];
	s2 =	stileid.u32  }
0xd0: {  	s1 =	rddreg [dreg:$0x1];
	p0 =	sne.s32 s2, $0x0  }
0xd1: {  	s3 =	rddreg [dreg:$0x2];
	[bflag:$0x3] =	sbarrier.arrive $0xFFFF;
	s2 =	simm.s32 @!p0 $0x1C03  }
0xd2: {  	[timem:s3], [sflag:s2] =	dma.local @!p0 [hbm:s0], s1  }
0xd3: {  	s0 =	simm.s32 @!p0 $0x3  }
0xd4: {  	_ =	swait.ge @!p0 [sflag:s0], s1  }
0xd5: {  	s1 =	ssub.s32 @!p0 $0x0, s1;
	[sflag:s0] =	ssyncset.done @!p0 $0x0  }
0xd6: {  	[sflag:s0] =	ssyncadd.s32 @!p0 s1  }
0xd7: {  	[bflag:$0x3] =	sbarrier.arrive $0xFFFF  }
0xd8: {  	_ =	shalt  }

// kernel: kernel.15.cloned.1.call-start
scs
__scs_entry_jumppad:
0x0: {  	(pc) =	sbr.rel $0x88, $3  }
0x1: {  	(tag) =	ssettag $0x0;
	lr =	simm.s32 $0x1  }
0x2: {  	[smem:$0x3F9B] =	sst lr;
	_ =	strace $0xD0000000  }
0x3: {  	_ = 	snop  }
0x4: {  	_ = 	snop  }
0x5: {  	_ = 	snop  }
0x6: {  	_ = 	snop  }
0x7: {  	_ = 	snop  }
__scs_overlays_trampoline_lowered:
0x8: {  	[smem:$0x3FAA] =	sst s0  }
0x9: {  	[smem:$0x3FAB] =	sst s1  }
0xa: {  	[smem:$0x3FAC] =	sst s2  }
0xb: {  	[smem:$0x3FAD] =	sst s3  }
0xc: {  	[smem:$0x3FAE] =	sst s4  }
0xd: {  	[smem:$0x3FAF] =	sst s5  }
0xe: {  	[smem:$0x3FB0] =	sst s6  }
0xf: {  	[smem:$0x3FB1] =	sst s7  }
0x10: {  	[smem:$0x3FB2] =	sst s8  }
0x11: {  	[smem:$0x3FB3] =	sst s9;
	s0 =	simm.s32 @!p0 $0x0  }
0x12: {  	s1 =	sld [smem:$0x3F99];
	s0 =	simm.s32 @p0 $0x1  }
0x13: {  	[smem:$0x3FB4] =	sst s0;
	s0 =	simm.s32 @!p1 $0x0  }
0x14: {  	s2 =	sld [smem:$0x3F98];
	s0 =	simm.s32 @p1 $0x1  }
0x15: {  	[smem:$0x3FB5] =	sst s0;
	s0 =	simm.s32 @!p2 $0x0  }
0x16: {  	s3 =	sld [smem:$0x3FDB];
	s0 =	simm.s32 @p2 $0x1  }
0x17: {  	s4 =	simm.s32 $0x1BF5;
	[smem:$0x3FB7] =	sst s0  }
0x18: {  	s0 =	sld [smem:$0x3F9A];
	_ =	swait.ge [sflag:s4], $0x0  }
0x19: {  	s7 =	sld [smem:$0x3F9B]  }
0x1a: {  	s8 =	sadd.s32 $0xFFFFE003, lr  }
0x1b: {  	s9 =	sadd.s32 $0xFFFFFEF7, lr;
	s5 =	simm.s32 $0xFFFFFFFF;
	p2 =	slt.u32 s8, $0xFFFFF086  }
0x1c: {  	p1 =	slt.u32 s9, $0xF7A;
	s5 =	simm.s32 @!p2 $0x0  }
0x1d: {  	s5 =	simm.s32 @p1 $0x1;
	p0 =	seq.s32 s7, s2  }
0x1e: {  	s7 =	smul.u32 @!p0 $0xF7A, s2;
	p2 =	seq.s32 @!p0 s5, $0x0  }
0x1f: {  	s9 =	smul.u32 $0xF7A, s1;
	s8 =	simm.s32 @!p0 $0x1BF5;
	p2 =	por !p2, p0  }
0x20: {  	[sflag:s8] =	ssyncset.s32 @!p0 $0xFFFFF086;
	s6 =	sadd.s32 @!p0 s3, s7;
	s7 =	simm.s32 @!p0 $0x108  }
0x21: {  	s3 =	sadd.s32 s3, s9;
	s6 =	sadd.s32 @!p0 $0x88, s6;
	s7 =	simm.s32 @p2 $0x1082  }
0x22: {  	[simem:s7], [sflag:s8] =	dma.local @!p0 [hbm:s6], $0xF7A  }
0x23: {  	s9 =	sor.u32 $0xD0000000, s2;
	s6 =	simm.s32 $0x108;
	_ =	swait.ge @!p0 [sflag:s8], $0x0  }
0x24: {  	s3 =	sadd.s32 $0x88, s3;
	s6 =	simm.s32 @!p1 $0x1082;
	[sflag:s4] =	ssyncset.s32 $0xFFFFF086  }
0x25: {  	[simem:s6], [sflag:s4] =	dma.local [hbm:s3], $0xF7A  }
0x26: {  	[smem:$0x3F9B] =	sst s1;
	(tag) =	ssettag s2;
	_ =	strace s9  }
0x27: {  	s1 =	sld [smem:$0x3FAB]  }
0x28: {  	s2 =	sld [smem:$0x3FAC]  }
0x29: {  	s4 =	sld [smem:$0x3FAE]  }
0x2a: {  	p0 =	seq.s32 s5, $0x0;
	s5 =	sld [smem:$0x3FAF]  }
0x2b: {  	s6 =	sld [smem:$0x3FB0]  }
0x2c: {  	s7 =	sld [smem:$0x3FB1]  }
0x2d: {  	s3 =	simm.s32 $0x108;
	s8 =	sld [smem:$0x3FB2]  }
0x2e: {  	s3 =	simm.s32 @!p0 $0x1082;
	s9 =	sld [smem:$0x3FB3]  }
0x2f: {  	lr =	sadd.s32 s0, s3;
	s0 =	sld [smem:$0x3FAA]  }
0x30: {  	s3 =	sld [smem:$0x3FAD]  }
0x31: {  	[smem:$0x3FB6] =	sst s10  }
0x32: {  	s10 =	sld [smem:$0x3FB4];
	_ =	sdelay $0x3  }
0x33: {  	p0 =	seq.s32 s10, $0x1;
	s10 =	sld [smem:$0x3FB6];
	_ =	sdelay $0x3  }
0x34: {  	[smem:$0x3FB6] =	sst s10  }
0x35: {  	s10 =	sld [smem:$0x3FB5];
	_ =	sdelay $0x3  }
0x36: {  	p1 =	seq.s32 s10, $0x1;
	s10 =	sld [smem:$0x3FB6];
	_ =	sdelay $0x3  }
0x37: {  	[smem:$0x3FB6] =	sst s10  }
0x38: {  	s10 =	sld [smem:$0x3FB7]  }
0x39: {  	_ = 	snop;
	(pc) =	sbr.ind lr, $3  }
0x3a: {  	_ = 	snop  }
0x3b: {  	_ = 	snop  }
0x3c: {  	p2 =	seq.s32 s10, $0x1;
	s10 =	sld [smem:$0x3FB6]  }
0x3d: {  	_ =	shalt  }
0x3e: {  	_ =	shalt  }
0x3f: {  	_ =	shalt  }
0x40: {  	_ =	shalt  }
0x41: {  	_ =	shalt  }
0x42: {  	_ =	shalt  }
0x43: {  	_ =	shalt  }
0x44: {  	_ =	shalt  }
0x45: {  	_ =	shalt  }
0x46: {  	_ =	shalt  }
0x47: {  	_ =	shalt  }
0x48: {  	_ =	shalt  }
0x49: {  	_ =	shalt  }
0x4a: {  	_ =	shalt  }
0x4b: {  	_ =	shalt  }
0x4c: {  	_ =	shalt  }
0x4d: {  	_ =	shalt  }
0x4e: {  	_ =	shalt  }
0x4f: {  	_ =	shalt  }
0x50: {  	_ =	shalt  }
0x51: {  	_ =	shalt  }
0x52: {  	_ =	shalt  }
0x53: {  	_ =	shalt  }
0x54: {  	_ =	shalt  }
0x55: {  	_ =	shalt  }
0x56: {  	_ =	shalt  }
0x57: {  	_ =	shalt  }
0x58: {  	_ =	shalt  }
0x59: {  	_ =	shalt  }
0x5a: {  	_ =	shalt  }
0x5b: {  	_ =	shalt  }
0x5c: {  	_ =	shalt  }
0x5d: {  	_ =	shalt  }
0x5e: {  	_ =	shalt  }
0x5f: {  	_ =	shalt  }
0x60: {  	_ =	shalt  }
0x61: {  	_ =	shalt  }
0x62: {  	_ =	shalt  }
0x63: {  	_ =	shalt  }
0x64: {  	_ =	shalt  }
0x65: {  	_ =	shalt  }
0x66: {  	_ =	shalt  }
0x67: {  	_ =	shalt  }
0x68: {  	_ =	shalt  }
0x69: {  	_ =	shalt  }
0x6a: {  	_ =	shalt  }
0x6b: {  	_ =	shalt  }
0x6c: {  	_ =	shalt  }
0x6d: {  	_ =	shalt  }
0x6e: {  	_ =	shalt  }
0x6f: {  	_ =	shalt  }
0x70: {  	_ =	shalt  }
0x71: {  	_ =	shalt  }
0x72: {  	_ =	shalt  }
0x73: {  	_ =	shalt  }
0x74: {  	_ =	shalt  }
0x75: {  	_ =	shalt  }
0x76: {  	_ =	shalt  }
0x77: {  	_ =	shalt  }
0x78: {  	_ =	shalt  }
0x79: {  	_ =	shalt  }
0x7a: {  	_ =	shalt  }
0x7b: {  	_ =	shalt  }
0x7c: {  	_ =	shalt  }
0x7d: {  	_ =	shalt  }
0x7e: {  	_ =	shalt  }
0x7f: {  	_ =	shalt  }
0x80: {  	_ =	shalt  }
0x81: {  	_ =	shalt  }
0x82: {  	_ =	shalt  }
0x83: {  	_ =	shalt  }
0x84: {  	_ =	shalt  }
0x85: {  	_ =	shalt  }
0x86: {  	_ =	shalt  }
0x87: {  	_ =	shalt  }
.Lfunc_end0:
.L_simem_size_0:
called_computation.2_lowered:
.L_overlay_start_0:
0x88: {  	s2 =	sld [smem:$0x3FD9]  }
0x89: {  	s3 =	sld [smem:$0x3FFE];
	_ =	sdelay $0x1  }
0x8a: {  	s1 =	srdreg.scid  }
0x8b: {  	s0 =	sand.u32 $0x1, s1  }
0x8c: {  	s17 =	sshll.u32 s0, $0xA;
	s2 =	sadd.s32 s3, s2  }
0x8d: {  	s2 =	sadd.s32 s2, s17  }
0x8e: {  	[smem:$0x3FC2] =	sst s2  }
0x8f: {  	_ = 	snop  }
0x90: {  	s2 =	sld [smem:$0x3FD0];
	(tm) =	ssettm $0x1  }
0x91: {  	s18 =	sld [smem:$0x3FFB];
	_ =	sdelay $0x3  }
0x92: {  	_ =	strace s18  }
0x93: {  	s3 =	sld [smem:$0x3FFC];
	_ =	sdelay $0x3  }
0x94: {  	_ =	strace s3  }
0x95: {  	s3 =	sld [smem:$0x3FFD];
	_ =	sdelay $0x3  }
0x96: {  	_ =	strace s3  }
0x97: {  	_ =	strace $0x8FFFFFFF  }
0x98: {  	s19 =	sld [smem:$0x3FDB];
	_ =	sdelay $0x1  }
0x99: {  	s4 =	simm.s32 $_scs_section_size  }
0x9a: {  	s5 =	simm.s32 $_size__tile_overlayer_lowered;
	s6 =	simm.s32 $_tile_overlayer_lowered  }
0x9b: {  	s22 =	simm.s32 $0x1BFF;
	s21 =	sshll.u32 s6, $0x1;
	s3 =	sadd.s32 s4, s19  }
0x9c: {  	s7 =	simm.s32 $0x0;
	s20 =	sshll.u32 s5, $0x1;
	s5 =	sadd.s32 s21, s3  }
0x9d: {  	[timem:s7], [sflag:s22] =	dma.local [hbm:s5], s20  }
0x9e: {  	_ =	swait.ge [sflag:s22], s20  }
0x9f: {  	s4 =	ssub.s32 $0x0, s20;
	[sflag:s22] =	ssyncset.done $0x0  }
0xa0: {  	[sflag:s22] =	ssyncadd.s32 s4;
	_ =	sdelay $0x1  }
0xa1: {  	s23 =	simm.s32 $0x1B8B  }
0xa2: {  	_ =	swait.ge [sflag:s23], $0x1  }
0xa3: {  	[sflag:s23] =	ssyncset.done $0x0  }
0xa4: {  	s25 =	simm.s32 $0x1B8E;
	s24 =	sld [smem:$0x3FFE];
	[sflag:s23] =	ssyncadd.s32 $0xFFFFFFFF  }
0xa5: {  	s26 =	simm.s32 $execute0_lowered;
	[smem:$0x3FD2] =	sst s25  }
0xa6: {  	s5 =	sshll.u32 s26, $0x1;
	_ =	strace $0x8000004C;
	[dreg:$0x1] =	wrdreg $0xFFFFFFFF  }
0xa7: {  	s28 =	simm.s32 $_size_execute0_lowered;
	s3 =	sadd.s32 s3, s5;
	[dreg:$0x0] =	wrdreg $0x0  }
0xa8: {  	s5 =	sshll.u32 s28, $0x1;
	[dreg:$0x2] =	wrdreg s3  }
0xa9: {  	[dreg:$0x3] =	wrdreg s5  }
0xaa: {  	[dreg:$0x4] =	wrdreg $0xC0  }
0xab: {  	_ =	task [dreg:s7], $0x5FFFF  }
0xac: {  	[dreg:$0x1] =	wrdreg $0xFFFFFFFF  }
0xad: {  	[dreg:$0x0] =	wrdreg $0x60  }
0xae: {  	[dreg:$0x2] =	wrdreg s24  }
0xaf: {  	[dreg:$0x3] =	wrdreg s2  }
0xb0: {  	[dreg:$0x4] =	wrdreg $0x0  }
0xb1: {  	[dreg:$0x5] =	wrdreg $0x9  }
0xb2: {  	_ =	task.clear_ibuf [dreg:s7], $0x6FFFF;
	_ =	strace $0x9000004C  }
0xb3: {  	s29 =	simm.s32 $0x9;
	_ =	strace $0x8000004E  }
0xb4: {  	_ =	swait.ge [sflag:s29], $0x1  }
0xb5: {  	[sflag:s29] =	ssyncadd.s32 $0xFFFFFFFF  }
0xb6: {  	_ =	strace $0x9000004E  }
0xb7: {  	_ =	sfence  }
0xb8: {  	s30 =	sld [smem:$0x0];
	_ =	sdelay $0x2  }
0xb9: {  	s31 =	sshll.u32 s1, $0xD;
	s1 =	sshrl.u32 s1, $0x2  }
0xba: {  	s3 =	sand.u32 $0x4000, s31;
	s1 =	sadd.s32 s1, s30  }
0xbb: {  	s0 =	sor.u32 s3, s0;
	s1 =	sshll.u32 s1, $0x11  }
0xbc: {  	s0 =	sor.u32 s1, s0  }
0xbd: {  	s0 =	sadd.s32 $0x8F2B, s0  }
0xbe: {  	[sflag:s0] =	ssyncadd.remote.s32 $0x1  }
0xbf: {  	_ =	sfence.sel $0xFFFF  }
0xc0: {  	[dreg:$0x0] =	wrdreg $0xFFFFFFFF;
	(pc) =	sbr.abs _section_cstart, $3  }
0xc1: {  	[dreg:$0x1] =	wrdreg $0xFFFFFFFF  }
0xc2: {  	_ =	task.clear_ibuf [dreg:s7], $0x2FFFF;
	_ =	strace $0x9FFFFFFF  }
0xc3: {  	(tm) =	ssettm $0x7FFFFFFF  }
tec
execute0_lowered:
.L_overlay_start_1:
0x0: {  	(tag) =	ssettag $0x1  }
0x1: {  	s0 =	rddreg [dreg:$0x0]  }
0x2: {  	s1 =	rddreg [dreg:$0x1]  }
0x3: {  	s2 =	rddreg [dreg:$0x2];
	s3 =	simm.s32 $0x0  }
0x4: {  	s12 =	stileid.u32;
	s7 =	srdreg.scid;
	s28 =	simm.s32 $0x18200  }
0x5: {  	s29 =	simm.s32 $0x14100;
	s30 =	simm.s32 $0x1;
	s4 =	smul.u32 $0x2800, s12  }
0x6: {  	s31 =	simm.s32 $0x14180;
	[smem:$0x7FF] =	sst s3;
	s8 =	smul.u32 $0x50000, s12  }
0x7: {  	s5 =	sadd.s32 $0xE800, s0;
	s6 =	sadd.s32 $0x4A00, s0;
	s11 =	smul.u32 $0x3A00, s12  }
0x8: {  	s7 =	sand.u32 $0x1, s7;
	s10 =	sadd.s32 $0x5E800, s0;
	s23 =	smul.u32 $0x2A0, s12  }
0x9: {  	s25 =	smul.u32 $0x740, s12;
	_ =	strace $0x8000004D;
	[dreg:$0x4] =	wrdreg s10  }
0xa: {  	s17 =	ssub.s32 $0x2, s7;
	p0 =	seq.s32 s7, $0x0;
	s9 =	sadd.s32 s4, s0  }
0xb: {  	s0 =	sadd.s32 $0x86800, s0;
	s18 =	sshrl.u32 s17, $0x1;
	s8 =	sshrl.u32 s8, $0x2  }
0xc: {  	s19 =	sshrl.u32 s11, $0x3;
	s20 =	sadd.s32 s5, s4;
	s26 =	sadd.s32 s23, s1  }
0xd: {  	s10 =	sadd.s32 s23, s6;
	s23 =	simm.s32 $0x14000;
	[dreg:$0x5] =	wrdreg s0  }
0xe: {  	s0 =	ssub.s32 s17, s18;
	s8 =	sadd.s32 s8, s2;
	s9 =	sadd.s32 $0x36800, s9  }
0xf: {  	[dreg:$0x7] =	wrdreg s20;
	s11 =	sadd.s32 s6, s19;
	s22 =	sadd.s32 s1, s19  }
0x10: {  	s16 =	sadd.s32 $0x7400, s26;
	s17 =	sadd.s32 $0x7400, s10;
	s18 =	sadd.s32 s25, s6  }
0x11: {  	s19 =	sadd.s32 s25, s1;
	s20 =	sshll.u32 s12, $0x6;
	s25 =	simm.s32 $0x14200  }
.Ltmp0:
0x12: {  	s26 =	simm.s32 $0x14080;
	s1 =	simm.s32 $0x0;
	(pc) =	sbr.rel .LBB2_1-.Ltmp0, $4  }
0x13: {  	[dreg:$0x6] =	wrdreg s9;
	s21 =	sadd.s32 $0x10, s11;
	s13 =	smax.u32 s0, $0x1  }
0x14: {  	s24 =	sadd.s32 $0x720, s22;
	s9 =	sadd.s32 $0x730, s22;
	[dreg:$0x8] =	wrdreg s21  }
0x15: {  	s7 =	sor.u32 $0x1C03, s20;
	s22 =	simm.s32 $0x3;
	[dreg:$0x9] =	wrdreg s24  }
0x16: {  	s0 =	simm.s32 $0x2;
	[dreg:$0xa] =	wrdreg s9;
	s24 =	simm.s32 $0x80  }
.LBB2_7:
0x17: {  	[tilespmem:s28], [sflag:$0x2] =	stream.indirect.gather [hbm4b:s5+s24], $0x80, s26, s24, $0xb8;
	[tilespmem:$0x1C200] =	vst v63  }
0x18: {  	s9 =	rddreg [dreg:$0x9]  }
0x19: {  	[tilespmem:s29], [sflag:$0x3] =	stream.linear.gather [hbm4b:s9+s3], $0x80, $0x38;
	[tilespmem:$0x1C200] =	vst v63  }
0x1a: {  	_ =	swait.ge [sflag:s22], $0x80  }
0x1b: {  	[sflag:s22] =	ssyncset.done $0x0  }
0x1c: {  	[sflag:s22] =	ssyncadd.s32 $0xFFFFFF80  }
0x1d: {  	_ =	swait.ge [sflag:s30], $0x4000  }
0x1e: {  	[sflag:s30] =	ssyncset.done $0x0  }
0x1f: {  	[sflag:s30] =	ssyncadd.s32 $0xFFFFC000  }
0x20: {  	[spmem:s2] =	stream.indirect.scatter.add.f32 [tilespmem:s25], [sflag:$0x3], $0x80, s29, s24, $0xb8;
	[tilespmem:$0x1C200] =	vst v63  }
0x21: {  	_ =	swait.ge [sflag:s22], $0x4000  }
0x22: {  	[sflag:s22] =	ssyncset.done $0x0  }
0x23: {  	s21 =	rddreg [dreg:$0xa];
	[sflag:s22] =	ssyncadd.s32 $0xFFFFC000  }
0x24: {  	[tilespmem:s31], [sflag:$0x3] =	stream.linear.gather [hbm4b:s21+s3], $0x80, $0x38;
	[tilespmem:$0x1C200] =	vst v63  }
0x25: {  	_ =	swait.ge [sflag:s22], $0x80  }
0x26: {  	[sflag:s22] =	ssyncset.done $0x0  }
0x27: {  	[sflag:s22] =	ssyncadd.s32 $0xFFFFFF80  }
0x28: {  	_ =	swait.ge [sflag:s0], $0x4000  }
0x29: {  	[sflag:s0] =	ssyncset.done $0x0  }
0x2a: {  	[sflag:s0] =	ssyncadd.s32 $0xFFFFC000  }
0x2b: {  	[spmem:s2] =	stream.indirect.scatter.add.f32 [tilespmem:s28], [sflag:$0x3], $0x80, s31, s24, $0xb8;
	[tilespmem:$0x1C200] =	vst v63  }
0x2c: {  	_ =	swait.ge [sflag:s22], $0x4000  }
0x2d: {  	[sflag:s22] =	ssyncset.done $0x0  }
0x2e: {  	s21 =	smov.u32 s7;
	s9 =	rddreg [dreg:$0x4];
	[sflag:s22] =	ssyncadd.s32 $0xFFFFC000  }
.LBB2_8:
0x2f: {  	s1 =	sadd.s32 $0x1, s1  }
0x30: {  	p1 =	sne.s32 s1, s13  }
.Ltmp1:
0x31: {  	s9 =	sadd.s32 s9, s4;
	[bflag:$0x0] =	sbarrier.arrive $0xFFFF;
	(pc) =	sbr.rel @!p1 .LBB2_9-.Ltmp1, $4  }
0x32: {  	[hbm:s9], [sflag:s21] =	dma.local [spmem:s6], $0x2800  }
0x33: {  	_ =	swait.ge [sflag:s22], $0x2800  }
0x34: {  	[sflag:s22] =	ssyncset.done $0x0  }
0x35: {  	[sflag:s22] =	ssyncadd.s32 $0xFFFFD800  }
.LBB2_1:
.Ltmp2:
0x36: {  	(pc) =	sbr.rel @!p0 .LBB2_2-.Ltmp2, $2  }
0x37: {  	_ =	sdelay $0x2  }
0x38: {  	s6 =	sshrl.u32 s8, $0x3  }
0x39: {  	s9 =	rddreg [dreg:$0x7]  }
0x3a: {  	[spmem:s6], [sflag:s7] =	dma.local [hbm:s9], $0x2800  }
0x3b: {  	_ =	swait.ge [sflag:s22], $0x2800  }
0x3c: {  	[sflag:s22] =	ssyncset.done $0x0  }
0x3d: {  	[sflag:s22] =	ssyncadd.s32 $0xFFFFD800  }
0x3e: {  	s12 =	simm.s32 $0x0;
	[bflag:$0x0] =	sbarrier.arrive $0xFFFF  }
0x3f: {  	[tilespmem:s23], [sflag:$0x3] =	stream.linear.gather [hbm4b:s11+s12], $0x80, $0x38;
	[tilespmem:$0x1C200] =	vst v63  }
0x40: {  	_ =	swait.ge [sflag:s22], $0x80  }
0x41: {  	[sflag:s22] =	ssyncset.done $0x0  }
0x42: {  	[sflag:s22] =	ssyncadd.s32 $0xFFFFFF80  }
0x43: {  	[tilespmem:s25], [sflag:$0x1] =	stream.indirect.gather [hbm4b:s5+s24], $0x80, s23, s24, $0xb8;
	[tilespmem:$0x1C200] =	vst v63  }
0x44: {  	s10 =	rddreg [dreg:$0x8]  }
0x45: {  	[tilespmem:s26], [sflag:$0x3] =	stream.linear.gather [hbm4b:s10+s12], $0x80, $0x38;
	[tilespmem:$0x1C200] =	vst v63  }
0x46: {  	_ =	swait.ge [sflag:s22], $0x80  }
0x47: {  	[sflag:s22] =	ssyncset.done $0x0  }
0x48: {  	[sflag:s22] =	ssyncadd.s32 $0xFFFFFF80  }
0x49: {  	[tilespmem:s28], [sflag:$0x2] =	stream.indirect.gather [hbm4b:s5+s24], $0x80, s26, s24, $0xb8;
	[tilespmem:$0x1C200] =	vst v63  }
0x4a: {  	s14 =	sadd.s32 $0x0, s19  }
0x4b: {  	[tilespmem:s29], [sflag:$0x3] =	stream.linear.gather [hbm4b:s14+s3], $0x80, $0x38;
	[tilespmem:$0x1C200] =	vst v63  }
0x4c: {  	_ =	swait.ge [sflag:s22], $0x80  }
0x4d: {  	[sflag:s22] =	ssyncset.done $0x0  }
0x4e: {  	[sflag:s22] =	ssyncadd.s32 $0xFFFFFF80  }
0x4f: {  	_ =	swait.ge [sflag:s30], $0x4000  }
0x50: {  	[sflag:s30] =	ssyncset.done $0x0  }
0x51: {  	[sflag:s30] =	ssyncadd.s32 $0xFFFFC000  }
0x52: {  	[spmem:s2] =	stream.indirect.scatter.add.f32 [tilespmem:s25], [sflag:$0x3], $0x80, s29, s24, $0xb8;
	[tilespmem:$0x1C200] =	vst v63  }
0x53: {  	_ =	swait.ge [sflag:s22], $0x4000  }
0x54: {  	s15 =	sadd.s32 $0x0, s18;
	[sflag:s22] =	ssyncset.done $0x0  }
0x55: {  	s21 =	sadd.s32 $0x20, s15;
	[sflag:s22] =	ssyncadd.s32 $0xFFFFC000  }
0x56: {  	[tilespmem:s23], [sflag:$0x3] =	stream.linear.gather [hbm4b:s21+s3], $0x80, $0x38;
	[tilespmem:$0x1C200] =	vst v63  }
0x57: {  	_ =	swait.ge [sflag:s22], $0x80  }
0x58: {  	[sflag:s22] =	ssyncset.done $0x0  }
0x59: {  	[sflag:s22] =	ssyncadd.s32 $0xFFFFFF80  }
0x5a: {  	[tilespmem:s25], [sflag:$0x1] =	stream.indirect.gather [hbm4b:s5+s24], $0x80, s23, s24, $0xb8;
	[tilespmem:$0x1C200] =	vst v63  }
0x5b: {  	s9 =	sadd.s32 $0x10, s14  }
0x5c: {  	[tilespmem:s31], [sflag:$0x3] =	stream.linear.gather [hbm4b:s9+s3], $0x80, $0x38;
	[tilespmem:$0x1C200] =	vst v63  }
0x5d: {  	_ =	swait.ge [sflag:s22], $0x80  }
0x5e: {  	[sflag:s22] =	ssyncset.done $0x0  }
0x5f: {  	[sflag:s22] =	ssyncadd.s32 $0xFFFFFF80  }
0x60: {  	_ =	swait.ge [sflag:s0], $0x4000  }
0x61: {  	[sflag:s0] =	ssyncset.done $0x0  }
0x62: {  	[sflag:s0] =	ssyncadd.s32 $0xFFFFC000  }
0x63: {  	[spmem:s2] =	stream.indirect.scatter.add.f32 [tilespmem:s28], [sflag:$0x3], $0x80, s31, s24, $0xb8;
	[tilespmem:$0x1C200] =	vst v63  }
0x64: {  	_ =	swait.ge [sflag:s22], $0x4000  }
0x65: {  	[sflag:s22] =	ssyncset.done $0x0  }
0x66: {  	s21 =	sadd.s32 $0x30, s15;
	[sflag:s22] =	ssyncadd.s32 $0xFFFFC000  }
0x67: {  	[tilespmem:s26], [sflag:$0x3] =	stream.linear.gather [hbm4b:s21+s3], $0x80, $0x38;
	[tilespmem:$0x1C200] =	vst v63  }
0x68: {  	_ =	swait.ge [sflag:s22], $0x80  }
0x69: {  	[sflag:s22] =	ssyncset.done $0x0  }
0x6a: {  	s21 =	simm.s32 $0x20;
	[sflag:s22] =	ssyncadd.s32 $0xFFFFFF80  }
.LBB2_6:
0x6b: {  	[tilespmem:s28], [sflag:$0x2] =	stream.indirect.gather [hbm4b:s5+s24], $0x80, s26, s24, $0xb8;
	[tilespmem:$0x1C200] =	vst v63  }
0x6c: {  	s9 =	smov.u32 s21  }
0x6d: {  	p1 =	sne.s32 s21, $0x700;
	s21 =	sadd.s32 $0x20, s21;
	s10 =	sadd.s32 s9, s19  }
0x6e: {  	[tilespmem:s29], [sflag:$0x3] =	stream.linear.gather [hbm4b:s10+s3], $0x80, $0x38;
	[tilespmem:$0x1C200] =	vst v63  }
0x6f: {  	_ =	swait.ge [sflag:s22], $0x80  }
0x70: {  	[sflag:s22] =	ssyncset.done $0x0  }
0x71: {  	[sflag:s22] =	ssyncadd.s32 $0xFFFFFF80  }
0x72: {  	_ =	swait.ge [sflag:s30], $0x4000  }
0x73: {  	[sflag:s30] =	ssyncset.done $0x0  }
0x74: {  	[sflag:s30] =	ssyncadd.s32 $0xFFFFC000  }
0x75: {  	[spmem:s2] =	stream.indirect.scatter.add.f32 [tilespmem:s25], [sflag:$0x3], $0x80, s29, s24, $0xb8;
	[tilespmem:$0x1C200] =	vst v63  }
0x76: {  	_ =	swait.ge [sflag:s22], $0x4000  }
0x77: {  	s9 =	sadd.s32 s9, s18;
	[sflag:s22] =	ssyncset.done $0x0  }
0x78: {  	s12 =	sadd.s32 $0x20, s9;
	[sflag:s22] =	ssyncadd.s32 $0xFFFFC000  }
0x79: {  	[tilespmem:s23], [sflag:$0x3] =	stream.linear.gather [hbm4b:s12+s3], $0x80, $0x38;
	[tilespmem:$0x1C200] =	vst v63  }
0x7a: {  	_ =	swait.ge [sflag:s22], $0x80  }
0x7b: {  	[sflag:s22] =	ssyncset.done $0x0  }
0x7c: {  	[sflag:s22] =	ssyncadd.s32 $0xFFFFFF80  }
0x7d: {  	[tilespmem:s25], [sflag:$0x1] =	stream.indirect.gather [hbm4b:s5+s24], $0x80, s23, s24, $0xb8;
	[tilespmem:$0x1C200] =	vst v63  }
0x7e: {  	s10 =	sadd.s32 $0x10, s10  }
0x7f: {  	[tilespmem:s31], [sflag:$0x3] =	stream.linear.gather [hbm4b:s10+s3], $0x80, $0x38;
	[tilespmem:$0x1C200] =	vst v63  }
0x80: {  	_ =	swait.ge [sflag:s22], $0x80  }
0x81: {  	[sflag:s22] =	ssyncset.done $0x0  }
0x82: {  	[sflag:s22] =	ssyncadd.s32 $0xFFFFFF80  }
0x83: {  	_ =	swait.ge [sflag:s0], $0x4000  }
0x84: {  	[sflag:s0] =	ssyncset.done $0x0  }
0x85: {  	[sflag:s0] =	ssyncadd.s32 $0xFFFFC000  }
0x86: {  	[spmem:s2] =	stream.indirect.scatter.add.f32 [tilespmem:s28], [sflag:$0x3], $0x80, s31, s24, $0xb8;
	[tilespmem:$0x1C200] =	vst v63  }
0x87: {  	_ =	swait.ge [sflag:s22], $0x4000  }
0x88: {  	[sflag:s22] =	ssyncset.done $0x0  }
.Ltmp3:
0x89: {  	s9 =	sadd.s32 $0x30, s9;
	[sflag:s22] =	ssyncadd.s32 $0xFFFFC000;
	(pc) =	sbr.rel @p1 .LBB2_6-.Ltmp3, $4  }
0x8a: {  	[tilespmem:s26], [sflag:$0x3] =	stream.linear.gather [hbm4b:s9+s3], $0x80, $0x38;
	[tilespmem:$0x1C200] =	vst v63  }
0x8b: {  	_ =	swait.ge [sflag:s22], $0x80  }
0x8c: {  	[sflag:s22] =	ssyncset.done $0x0  }
0x8d: {  	[sflag:s22] =	ssyncadd.s32 $0xFFFFFF80  }
.Ltmp4:
0x8e: {  	_ = 	snop;
	(pc) =	sbr.rel .LBB2_7-.Ltmp4, $1  }
0x8f: {  	_ =	sdelay $0x3  }
.LBB2_2:
0x90: {  	s21 =	sor.u32 $0x1C03, s20;
	s9 =	rddreg [dreg:$0x6]  }
0x91: {  	[spmem:s6], [sflag:s21] =	dma.local [hbm:s9], $0x2800  }
0x92: {  	_ =	swait.ge [sflag:s22], $0x2800  }
0x93: {  	[sflag:s22] =	ssyncset.done $0x0  }
0x94: {  	[sflag:s22] =	ssyncadd.s32 $0xFFFFD800  }
0x95: {  	s14 =	sadd.s32 $0x0, s17;
	[bflag:$0x0] =	sbarrier.arrive $0xFFFF  }
0x96: {  	[tilespmem:s23], [sflag:$0x3] =	stream.linear.gather [hbm4b:s14+s3], $0x80, $0x38;
	[tilespmem:$0x1C200] =	vst v63  }
0x97: {  	_ =	swait.ge [sflag:s22], $0x80  }
0x98: {  	[sflag:s22] =	ssyncset.done $0x0  }
0x99: {  	[sflag:s22] =	ssyncadd.s32 $0xFFFFFF80  }
0x9a: {  	[tilespmem:s25], [sflag:$0x1] =	stream.indirect.gather [hbm4b:s5+s24], $0x80, s23, s24, $0xb8;
	[tilespmem:$0x1C200] =	vst v63  }
0x9b: {  	_ =	swait.ge [sflag:s30], $0x4000  }
0x9c: {  	[sflag:s30] =	ssyncset.done $0x0  }
0x9d: {  	s15 =	sadd.s32 $0x0, s16;
	[sflag:s30] =	ssyncadd.s32 $0xFFFFC000  }
0x9e: {  	[tilespmem:s29], [sflag:$0x3] =	stream.linear.gather [hbm4b:s15+s3], $0x80, $0x38;
	[tilespmem:$0x1C200] =	vst v63  }
0x9f: {  	_ =	swait.ge [sflag:s22], $0x80  }
0xa0: {  	[sflag:s22] =	ssyncset.done $0x0  }
0xa1: {  	[sflag:s22] =	ssyncadd.s32 $0xFFFFFF80  }
0xa2: {  	[spmem:s2] =	stream.indirect.scatter.add.f32 [tilespmem:s25], [sflag:$0x3], $0x80, s29, s24, $0xb8;
	[tilespmem:$0x1C200] =	vst v63  }
0xa3: {  	_ =	swait.ge [sflag:s22], $0x4000  }
0xa4: {  	s10 =	simm.s32 $0x20;
	s9 =	simm.s32 $0x10;
	[sflag:s22] =	ssyncset.done $0x0  }
.LBB2_3:
0xa5: {  	s12 =	sadd.s32 s9, s17  }
0xa6: {  	[sflag:s22] =	ssyncadd.s32 $0xFFFFC000;
	s14 =	smov.u32 s10;
	s15 =	sadd.s32 $0x10, s10  }
0xa7: {  	[tilespmem:s23], [sflag:$0x3] =	stream.linear.gather [hbm4b:s12+s3], $0x80, $0x38;
	[tilespmem:$0x1C200] =	vst v63  }
0xa8: {  	p1 =	sne.s32 s10, $0x290;
	_ =	swait.ge [sflag:s22], $0x80  }
0xa9: {  	[sflag:s22] =	ssyncset.done $0x0  }
0xaa: {  	[sflag:s22] =	ssyncadd.s32 $0xFFFFFF80  }
0xab: {  	[tilespmem:s25], [sflag:$0x1] =	stream.indirect.gather [hbm4b:s5+s24], $0x80, s23, s24, $0xb8;
	[tilespmem:$0x1C200] =	vst v63  }
0xac: {  	_ =	swait.ge [sflag:s30], $0x4000  }
0xad: {  	[sflag:s30] =	ssyncset.done $0x0  }
0xae: {  	s10 =	sadd.s32 s9, s16;
	s9 =	smov.u32 s14;
	[sflag:s30] =	ssyncadd.s32 $0xFFFFC000  }
0xaf: {  	[tilespmem:s29], [sflag:$0x3] =	stream.linear.gather [hbm4b:s10+s3], $0x80, $0x38;
	[tilespmem:$0x1C200] =	vst v63  }
0xb0: {  	_ =	swait.ge [sflag:s22], $0x80  }
.Ltmp5:
0xb1: {  	[sflag:s22] =	ssyncset.done $0x0;
	(pc) =	sbr.rel @p1 .LBB2_3-.Ltmp5, $4  }
0xb2: {  	[sflag:s22] =	ssyncadd.s32 $0xFFFFFF80  }
0xb3: {  	[spmem:s2] =	stream.indirect.scatter.add.f32 [tilespmem:s25], [sflag:$0x3], $0x80, s29, s24, $0xb8;
	[tilespmem:$0x1C200] =	vst v63  }
0xb4: {  	_ =	swait.ge [sflag:s22], $0x4000  }
0xb5: {  	s10 =	smov.u32 s15;
	[sflag:s22] =	ssyncset.done $0x0  }
0xb6: {  	s10 =	sadd.s32 s9, s17;
	[sflag:s22] =	ssyncadd.s32 $0xFFFFC000  }
0xb7: {  	[tilespmem:s23], [sflag:$0x3] =	stream.linear.gather [hbm4b:s10+s3], $0x80, $0x38;
	[tilespmem:$0x1C200] =	vst v63  }
0xb8: {  	_ =	swait.ge [sflag:s22], $0x80  }
0xb9: {  	[sflag:s22] =	ssyncset.done $0x0  }
0xba: {  	[sflag:s22] =	ssyncadd.s32 $0xFFFFFF80  }
0xbb: {  	[tilespmem:s25], [sflag:$0x1] =	stream.indirect.gather [hbm4b:s5+s24], $0x80, s23, s24, $0xb8;
	[tilespmem:$0x1C200] =	vst v63  }
0xbc: {  	_ =	swait.ge [sflag:s30], $0x4000  }
0xbd: {  	[sflag:s30] =	ssyncset.done $0x0  }
0xbe: {  	s15 =	sadd.s32 s9, s16;
	[sflag:s30] =	ssyncadd.s32 $0xFFFFC000  }
0xbf: {  	[tilespmem:s29], [sflag:$0x3] =	stream.linear.gather [hbm4b:s15+s3], $0x80, $0x38;
	[tilespmem:$0x1C200] =	vst v63  }
0xc0: {  	_ =	swait.ge [sflag:s22], $0x80  }
0xc1: {  	[sflag:s22] =	ssyncset.done $0x0  }
.Ltmp6:
0xc2: {  	[sflag:s22] =	ssyncadd.s32 $0xFFFFFF80;
	(pc) =	sbr.rel .LBB2_8-.Ltmp6, $4  }
0xc3: {  	[spmem:s2] =	stream.indirect.scatter.add.f32 [tilespmem:s25], [sflag:$0x3], $0x80, s29, s24, $0xb8;
	[tilespmem:$0x1C200] =	vst v63  }
0xc4: {  	_ =	swait.ge [sflag:s22], $0x4000  }
0xc5: {  	[sflag:s22] =	ssyncset.done $0x0  }
0xc6: {  	s9 =	rddreg [dreg:$0x5];
	[sflag:s22] =	ssyncadd.s32 $0xFFFFC000  }
.LBB2_9:
0xc7: {  	_ =	sfence.sel $0x180000  }
0xc8: {  	[bflag:$0x0] =	sbarrier.arrive $0xFFFF  }
0xc9: {  	_ =	strace $0x9000004D  }
0xca: {  	s0 =	stileid.u32;
	[bflag:$0x2] =	sbarrier.arrive $0xFFFF  }
0xcb: {  	p0 =	sne.s32 s0, $0x0;
	s0 =	rddreg [dreg:$0x3]  }
0xcc: {  	s0 =	sadd.s32 @!p0 $0x100000, s0  }
0xcd: {  	[sflag:s0] =	ssyncadd.tile.s32 @!p0 $0x1;
	_ =	shalt  }
.Lfunc_end2:
_tile_overlayer_lowered:
.L_overlay_start_2:
0xce: {  	(tag) =	ssettag $0x2  }
0xcf: {  	s0 =	rddreg [dreg:$0x0];
	s2 =	stileid.u32  }
0xd0: {  	s1 =	rddreg [dreg:$0x1];
	p0 =	sne.s32 s2, $0x0  }
0xd1: {  	s3 =	rddreg [dreg:$0x2];
	[bflag:$0x3] =	sbarrier.arrive $0xFFFF;
	s2 =	simm.s32 @!p0 $0x1C03  }
0xd2: {  	[timem:s3], [sflag:s2] =	dma.local @!p0 [hbm:s0], s1  }
0xd3: {  	s0 =	simm.s32 @!p0 $0x3  }
0xd4: {  	_ =	swait.ge @!p0 [sflag:s0], s1  }
0xd5: {  	s1 =	ssub.s32 @!p0 $0x0, s1;
	[sflag:s0] =	ssyncset.done @!p0 $0x0  }
0xd6: {  	[sflag:s0] =	ssyncadd.s32 @!p0 s1  }
0xd7: {  	[bflag:$0x3] =	sbarrier.arrive $0xFFFF  }
0xd8: {  	_ =	shalt  }

// kernel: kernel.9.cloned.1.call-start
scs
__scs_entry_jumppad:
0x0: {  	(pc) =	sbr.rel $0x88, $3  }
0x1: {  	(tag) =	ssettag $0x0;
	lr =	simm.s32 $0x1  }
0x2: {  	[smem:$0x3F9B] =	sst lr;
	_ =	strace $0xD0000000  }
0x3: {  	_ = 	snop  }
0x4: {  	_ = 	snop  }
0x5: {  	_ = 	snop  }
0x6: {  	_ = 	snop  }
0x7: {  	_ = 	snop  }
__scs_overlays_trampoline_lowered:
0x8: {  	[smem:$0x3FAA] =	sst s0  }
0x9: {  	[smem:$0x3FAB] =	sst s1  }
0xa: {  	[smem:$0x3FAC] =	sst s2  }
0xb: {  	[smem:$0x3FAD] =	sst s3  }
0xc: {  	[smem:$0x3FAE] =	sst s4  }
0xd: {  	[smem:$0x3FAF] =	sst s5  }
0xe: {  	[smem:$0x3FB0] =	sst s6  }
0xf: {  	[smem:$0x3FB1] =	sst s7  }
0x10: {  	[smem:$0x3FB2] =	sst s8  }
0x11: {  	[smem:$0x3FB3] =	sst s9;
	s0 =	simm.s32 @!p0 $0x0  }
0x12: {  	s1 =	sld [smem:$0x3F99];
	s0 =	simm.s32 @p0 $0x1  }
0x13: {  	[smem:$0x3FB4] =	sst s0;
	s0 =	simm.s32 @!p1 $0x0  }
0x14: {  	s2 =	sld [smem:$0x3F98];
	s0 =	simm.s32 @p1 $0x1  }
0x15: {  	[smem:$0x3FB5] =	sst s0;
	s0 =	simm.s32 @!p2 $0x0  }
0x16: {  	s3 =	sld [smem:$0x3FDB];
	s0 =	simm.s32 @p2 $0x1  }
0x17: {  	s4 =	simm.s32 $0x1BF5;
	[smem:$0x3FB7] =	sst s0  }
0x18: {  	s0 =	sld [smem:$0x3F9A];
	_ =	swait.ge [sflag:s4], $0x0  }
0x19: {  	s7 =	sld [smem:$0x3F9B]  }
0x1a: {  	s8 =	sadd.s32 $0xFFFFE003, lr  }
0x1b: {  	s9 =	sadd.s32 $0xFFFFFEF7, lr;
	s5 =	simm.s32 $0xFFFFFFFF;
	p2 =	slt.u32 s8, $0xFFFFF086  }
0x1c: {  	p1 =	slt.u32 s9, $0xF7A;
	s5 =	simm.s32 @!p2 $0x0  }
0x1d: {  	s5 =	simm.s32 @p1 $0x1;
	p0 =	seq.s32 s7, s2  }
0x1e: {  	s7 =	smul.u32 @!p0 $0xF7A, s2;
	p2 =	seq.s32 @!p0 s5, $0x0  }
0x1f: {  	s9 =	smul.u32 $0xF7A, s1;
	s8 =	simm.s32 @!p0 $0x1BF5;
	p2 =	por !p2, p0  }
0x20: {  	[sflag:s8] =	ssyncset.s32 @!p0 $0xFFFFF086;
	s6 =	sadd.s32 @!p0 s3, s7;
	s7 =	simm.s32 @!p0 $0x108  }
0x21: {  	s3 =	sadd.s32 s3, s9;
	s6 =	sadd.s32 @!p0 $0x88, s6;
	s7 =	simm.s32 @p2 $0x1082  }
0x22: {  	[simem:s7], [sflag:s8] =	dma.local @!p0 [hbm:s6], $0xF7A  }
0x23: {  	s9 =	sor.u32 $0xD0000000, s2;
	s6 =	simm.s32 $0x108;
	_ =	swait.ge @!p0 [sflag:s8], $0x0  }
0x24: {  	s3 =	sadd.s32 $0x88, s3;
	s6 =	simm.s32 @!p1 $0x1082;
	[sflag:s4] =	ssyncset.s32 $0xFFFFF086  }
0x25: {  	[simem:s6], [sflag:s4] =	dma.local [hbm:s3], $0xF7A  }
0x26: {  	[smem:$0x3F9B] =	sst s1;
	(tag) =	ssettag s2;
	_ =	strace s9  }
0x27: {  	s1 =	sld [smem:$0x3FAB]  }
0x28: {  	s2 =	sld [smem:$0x3FAC]  }
0x29: {  	s4 =	sld [smem:$0x3FAE]  }
0x2a: {  	p0 =	seq.s32 s5, $0x0;
	s5 =	sld [smem:$0x3FAF]  }
0x2b: {  	s6 =	sld [smem:$0x3FB0]  }
0x2c: {  	s7 =	sld [smem:$0x3FB1]  }
0x2d: {  	s3 =	simm.s32 $0x108;
	s8 =	sld [smem:$0x3FB2]  }
0x2e: {  	s3 =	simm.s32 @!p0 $0x1082;
	s9 =	sld [smem:$0x3FB3]  }
0x2f: {  	lr =	sadd.s32 s0, s3;
	s0 =	sld [smem:$0x3FAA]  }
0x30: {  	s3 =	sld [smem:$0x3FAD]  }
0x31: {  	[smem:$0x3FB6] =	sst s10  }
0x32: {  	s10 =	sld [smem:$0x3FB4];
	_ =	sdelay $0x3  }
0x33: {  	p0 =	seq.s32 s10, $0x1;
	s10 =	sld [smem:$0x3FB6];
	_ =	sdelay $0x3  }
0x34: {  	[smem:$0x3FB6] =	sst s10  }
0x35: {  	s10 =	sld [smem:$0x3FB5];
	_ =	sdelay $0x3  }
0x36: {  	p1 =	seq.s32 s10, $0x1;
	s10 =	sld [smem:$0x3FB6];
	_ =	sdelay $0x3  }
0x37: {  	[smem:$0x3FB6] =	sst s10  }
0x38: {  	s10 =	sld [smem:$0x3FB7]  }
0x39: {  	_ = 	snop;
	(pc) =	sbr.ind lr, $3  }
0x3a: {  	_ = 	snop  }
0x3b: {  	_ = 	snop  }
0x3c: {  	p2 =	seq.s32 s10, $0x1;
	s10 =	sld [smem:$0x3FB6]  }
0x3d: {  	_ =	shalt  }
0x3e: {  	_ =	shalt  }
0x3f: {  	_ =	shalt  }
0x40: {  	_ =	shalt  }
0x41: {  	_ =	shalt  }
0x42: {  	_ =	shalt  }
0x43: {  	_ =	shalt  }
0x44: {  	_ =	shalt  }
0x45: {  	_ =	shalt  }
0x46: {  	_ =	shalt  }
0x47: {  	_ =	shalt  }
0x48: {  	_ =	shalt  }
0x49: {  	_ =	shalt  }
0x4a: {  	_ =	shalt  }
0x4b: {  	_ =	shalt  }
0x4c: {  	_ =	shalt  }
0x4d: {  	_ =	shalt  }
0x4e: {  	_ =	shalt  }
0x4f: {  	_ =	shalt  }
0x50: {  	_ =	shalt  }
0x51: {  	_ =	shalt  }
0x52: {  	_ =	shalt  }
0x53: {  	_ =	shalt  }
0x54: {  	_ =	shalt  }
0x55: {  	_ =	shalt  }
0x56: {  	_ =	shalt  }
0x57: {  	_ =	shalt  }
0x58: {  	_ =	shalt  }
0x59: {  	_ =	shalt  }
0x5a: {  	_ =	shalt  }
0x5b: {  	_ =	shalt  }
0x5c: {  	_ =	shalt  }
0x5d: {  	_ =	shalt  }
0x5e: {  	_ =	shalt  }
0x5f: {  	_ =	shalt  }
0x60: {  	_ =	shalt  }
0x61: {  	_ =	shalt  }
0x62: {  	_ =	shalt  }
0x63: {  	_ =	shalt  }
0x64: {  	_ =	shalt  }
0x65: {  	_ =	shalt  }
0x66: {  	_ =	shalt  }
0x67: {  	_ =	shalt  }
0x68: {  	_ =	shalt  }
0x69: {  	_ =	shalt  }
0x6a: {  	_ =	shalt  }
0x6b: {  	_ =	shalt  }
0x6c: {  	_ =	shalt  }
0x6d: {  	_ =	shalt  }
0x6e: {  	_ =	shalt  }
0x6f: {  	_ =	shalt  }
0x70: {  	_ =	shalt  }
0x71: {  	_ =	shalt  }
0x72: {  	_ =	shalt  }
0x73: {  	_ =	shalt  }
0x74: {  	_ =	shalt  }
0x75: {  	_ =	shalt  }
0x76: {  	_ =	shalt  }
0x77: {  	_ =	shalt  }
0x78: {  	_ =	shalt  }
0x79: {  	_ =	shalt  }
0x7a: {  	_ =	shalt  }
0x7b: {  	_ =	shalt  }
0x7c: {  	_ =	shalt  }
0x7d: {  	_ =	shalt  }
0x7e: {  	_ =	shalt  }
0x7f: {  	_ =	shalt  }
0x80: {  	_ =	shalt  }
0x81: {  	_ =	shalt  }
0x82: {  	_ =	shalt  }
0x83: {  	_ =	shalt  }
0x84: {  	_ =	shalt  }
0x85: {  	_ =	shalt  }
0x86: {  	_ =	shalt  }
0x87: {  	_ =	shalt  }
.Lfunc_end0:
.L_simem_size_0:
called_computation_lowered:
.L_overlay_start_0:
0x88: {  	s2 =	sld [smem:$0x3FD9]  }
0x89: {  	s3 =	sld [smem:$0x3FFE];
	_ =	sdelay $0x1  }
0x8a: {  	s1 =	srdreg.scid  }
0x8b: {  	s0 =	sand.u32 $0x1, s1  }
0x8c: {  	s17 =	sshll.u32 s0, $0xA;
	s2 =	sadd.s32 s3, s2  }
0x8d: {  	s2 =	sadd.s32 s2, s17  }
0x8e: {  	[smem:$0x3FC2] =	sst s2  }
0x8f: {  	_ = 	snop  }
0x90: {  	s2 =	sld [smem:$0x3FD0];
	(tm) =	ssettm $0x1  }
0x91: {  	s18 =	sld [smem:$0x3FFB];
	_ =	sdelay $0x3  }
0x92: {  	_ =	strace s18  }
0x93: {  	s3 =	sld [smem:$0x3FFC];
	_ =	sdelay $0x3  }
0x94: {  	_ =	strace s3  }
0x95: {  	s3 =	sld [smem:$0x3FFD];
	_ =	sdelay $0x3  }
0x96: {  	_ =	strace s3  }
0x97: {  	_ =	strace $0x8FFFFFFF  }
0x98: {  	s19 =	sld [smem:$0x3FDB];
	_ =	sdelay $0x1  }
0x99: {  	s4 =	simm.s32 $_scs_section_size  }
0x9a: {  	s5 =	simm.s32 $_size__tile_overlayer_lowered;
	s6 =	simm.s32 $_tile_overlayer_lowered  }
0x9b: {  	s22 =	simm.s32 $0x1BFF;
	s21 =	sshll.u32 s6, $0x1;
	s3 =	sadd.s32 s4, s19  }
0x9c: {  	s7 =	simm.s32 $0x0;
	s20 =	sshll.u32 s5, $0x1;
	s5 =	sadd.s32 s21, s3  }
0x9d: {  	[timem:s7], [sflag:s22] =	dma.local [hbm:s5], s20  }
0x9e: {  	_ =	swait.ge [sflag:s22], s20  }
0x9f: {  	s4 =	ssub.s32 $0x0, s20;
	[sflag:s22] =	ssyncset.done $0x0  }
0xa0: {  	[sflag:s22] =	ssyncadd.s32 s4;
	_ =	sdelay $0x1  }
0xa1: {  	s23 =	simm.s32 $0x1B8B  }
0xa2: {  	_ =	swait.ge [sflag:s23], $0x1  }
0xa3: {  	[sflag:s23] =	ssyncset.done $0x0  }
0xa4: {  	s25 =	simm.s32 $0x1B8E;
	s24 =	sld [smem:$0x3FFE];
	[sflag:s23] =	ssyncadd.s32 $0xFFFFFFFF  }
0xa5: {  	s26 =	simm.s32 $execute0_lowered;
	[smem:$0x3FD2] =	sst s25  }
0xa6: {  	s5 =	sshll.u32 s26, $0x1;
	_ =	strace $0x80000046;
	[dreg:$0x1] =	wrdreg $0xFFFFFFFF  }
0xa7: {  	s28 =	simm.s32 $_size_execute0_lowered;
	s3 =	sadd.s32 s3, s5;
	[dreg:$0x0] =	wrdreg $0x0  }
0xa8: {  	s5 =	sshll.u32 s28, $0x1;
	[dreg:$0x2] =	wrdreg s3  }
0xa9: {  	[dreg:$0x3] =	wrdreg s5  }
0xaa: {  	[dreg:$0x4] =	wrdreg $0xC0  }
0xab: {  	_ =	task [dreg:s7], $0x5FFFF  }
0xac: {  	[dreg:$0x1] =	wrdreg $0xFFFFFFFF  }
0xad: {  	[dreg:$0x0] =	wrdreg $0x60  }
0xae: {  	[dreg:$0x2] =	wrdreg s2  }
0xaf: {  	[dreg:$0x3] =	wrdreg s24  }
0xb0: {  	[dreg:$0x4] =	wrdreg $0x0  }
0xb1: {  	[dreg:$0x5] =	wrdreg $0x9  }
0xb2: {  	_ =	task.clear_ibuf [dreg:s7], $0x6FFFF;
	_ =	strace $0x90000046  }
0xb3: {  	s29 =	simm.s32 $0x9;
	_ =	strace $0x80000048  }
0xb4: {  	_ =	swait.ge [sflag:s29], $0x1  }
0xb5: {  	[sflag:s29] =	ssyncadd.s32 $0xFFFFFFFF  }
0xb6: {  	_ =	strace $0x90000048  }
0xb7: {  	_ =	sfence  }
0xb8: {  	s30 =	sld [smem:$0x0];
	_ =	sdelay $0x2  }
0xb9: {  	s31 =	sshll.u32 s1, $0xD;
	s1 =	sshrl.u32 s1, $0x2  }
0xba: {  	s3 =	sand.u32 $0x4000, s31;
	s1 =	sadd.s32 s1, s30  }
0xbb: {  	s0 =	sor.u32 s3, s0;
	s1 =	sshll.u32 s1, $0x11  }
0xbc: {  	s0 =	sor.u32 s1, s0  }
0xbd: {  	s0 =	sadd.s32 $0x8F2B, s0  }
0xbe: {  	[sflag:s0] =	ssyncadd.remote.s32 $0x1  }
0xbf: {  	_ =	sfence.sel $0xFFFF  }
0xc0: {  	[dreg:$0x0] =	wrdreg $0xFFFFFFFF;
	(pc) =	sbr.abs _section_cstart, $3  }
0xc1: {  	[dreg:$0x1] =	wrdreg $0xFFFFFFFF  }
0xc2: {  	_ =	task.clear_ibuf [dreg:s7], $0x2FFFF;
	_ =	strace $0x9FFFFFFF  }
0xc3: {  	(tm) =	ssettm $0x7FFFFFFF  }
tec
execute0_lowered:
.L_overlay_start_1:
0x0: {  	(tag) =	ssettag $0x1  }
0x1: {  	s7 =	rddreg [dreg:$0x0]  }
0x2: {  	s5 =	rddreg [dreg:$0x1]  }
0x3: {  	s1 =	rddreg [dreg:$0x2]  }
0x4: {  	s0 =	rddreg [dreg:$0x3];
	s2 =	simm.s32 $0x0  }
0x5: {  	s6 =	srdreg.scid;
	s3 =	stileid.u32;
	s15 =	simm.s32 $0x0  }
0x6: {  	[smem:$0x7FF] =	sst s2;
	s4 =	sadd.s32 $0x3800, s5;
	s8 =	sand.u32 $0x1, s6  }
0x7: {  	s6 =	sadd.s32 $0x3200, s5;
	s10 =	smul.u32 $0x280, s3;
	s11 =	sadd.s32 $0x3E00, s5  }
0x8: {  	s12 =	sadd.s32 $0x4400, s5;
	s30 =	smul.u32 $0x9E0, s3;
	s31 =	sshll.u32 s3, $0x6  }
0x9: {  	_ =	strace $0x80000047;
	s9 =	ssub.s32 $0x2, s8;
	p0 =	seq.s32 s8, $0x0  }
0xa: {  	s14 =	smul.u32 $0x4F0, s8;
	s28 =	sshrl.u32 s9, $0x1;
	s13 =	sadd.s32 s10, s1  }
0xb: {  	s29 =	sshrl.u32 s10, $0x3;
	s6 =	smov.u32 @p0 s4;
	s12 =	smov.u32 @p0 s11  }
0xc: {  	s10 =	sadd.s32 s30, s7;
	s7 =	sor.u32 $0x1C01, s31;
	s11 =	simm.s32 $0x1  }
0xd: {  	s5 =	ssub.s32 s9, s28;
	s6 =	sadd.s32 s6, s29;
	s8 =	sadd.s32 s12, s29  }
0xe: {  	s9 =	sadd.s32 s14, s10;
	s10 =	sshrl.u32 s13, $0x3;
	s12 =	simm.s32 $0x300  }
0xf: {  	s13 =	simm.s32 $0x280;
	s14 =	simm.s32 $0x80;
	s5 =	smax.u32 s5, $0x1  }
.LBB2_1:
0x10: {  	[spmem:s10], [sflag:s7] =	dma.local [hbm:s6], $0x50  }
0x11: {  	_ =	swait.ge [sflag:s11], $0x50  }
0x12: {  	[sflag:s11] =	ssyncset.done $0x0  }
0x13: {  	[sflag:s11] =	ssyncadd.s32 $0xFFFFFFB0  }
0x14: {  	[tilespmem:s12], [sflag:$0x1] =	stream.linear.gather [hbm4b:s4+s2], $0x80, $0x38;
	[tilespmem:$0x380] =	vst v63  }
0x15: {  	_ =	swait.ge [sflag:s11], $0x80  }
0x16: {  	[sflag:s11] =	ssyncset.done $0x0  }
0x17: {  	[sflag:s11] =	ssyncadd.s32 $0xFFFFFF80  }
0x18: {  	s16 =	sadd.s32 $0x0, s9;
	[bflag:$0x0] =	sbarrier.arrive $0xFFFF  }
0x19: {  	[tilespmem:s13], [sflag:$0x1] =	stream.linear.gather [hbm4b:s16+s2], $0x80, $0x38;
	[tilespmem:$0x380] =	vst v63  }
0x1a: {  	_ =	swait.ge [sflag:s11], $0x80  }
0x1b: {  	[sflag:s11] =	ssyncset.done $0x0  }
0x1c: {  	[sflag:s11] =	ssyncadd.s32 $0xFFFFFF80  }
0x1d: {  	[spmem:s1] =	stream.indirect.scatter.add.f32 [tilespmem:s12], [sflag:$0x1], $0x1, s13, s14, $0xb8;
	[tilespmem:$0x380] =	vst v63  }
0x1e: {  	_ =	swait.ge [sflag:s11], $0x80  }
0x1f: {  	s17 =	simm.s32 $0x20;
	s16 =	simm.s32 $0x10;
	[sflag:s11] =	ssyncset.done $0x0  }
.LBB2_2:
0x20: {  	s18 =	sadd.s32 s16, s9  }
0x21: {  	[sflag:s11] =	ssyncadd.s32 $0xFFFFFF80;
	s16 =	smov.u32 s17;
	s19 =	sadd.s32 $0x10, s17  }
0x22: {  	[tilespmem:s13], [sflag:$0x1] =	stream.linear.gather [hbm4b:s18+s2], $0x80, $0x38;
	[tilespmem:$0x380] =	vst v63  }
0x23: {  	p0 =	sne.s32 s17, $0x4E0;
	_ =	swait.ge [sflag:s11], $0x80  }
.Ltmp0:
0x24: {  	[sflag:s11] =	ssyncset.done $0x0;
	(pc) =	sbr.rel @p0 .LBB2_2-.Ltmp0, $4  }
0x25: {  	[sflag:s11] =	ssyncadd.s32 $0xFFFFFF80  }
0x26: {  	[spmem:s1] =	stream.indirect.scatter.add.f32 [tilespmem:s12], [sflag:$0x1], $0x1, s13, s14, $0xb8;
	[tilespmem:$0x380] =	vst v63  }
0x27: {  	_ =	swait.ge [sflag:s11], $0x80  }
0x28: {  	s17 =	smov.u32 s19;
	[sflag:s11] =	ssyncset.done $0x0  }
0x29: {  	s16 =	sadd.s32 s16, s9;
	[sflag:s11] =	ssyncadd.s32 $0xFFFFFF80  }
0x2a: {  	[tilespmem:s13], [sflag:$0x1] =	stream.linear.gather [hbm4b:s16+s2], $0x80, $0x38;
	[tilespmem:$0x380] =	vst v63  }
0x2b: {  	_ =	swait.ge [sflag:s11], $0x80  }
0x2c: {  	[sflag:s11] =	ssyncset.done $0x0  }
0x2d: {  	[sflag:s11] =	ssyncadd.s32 $0xFFFFFF80  }
0x2e: {  	[spmem:s1] =	stream.indirect.scatter.add.f32 [tilespmem:s12], [sflag:$0x1], $0x1, s13, s14, $0xb8;
	[tilespmem:$0x380] =	vst v63  }
0x2f: {  	_ =	swait.ge [sflag:s11], $0x80  }
0x30: {  	s15 =	sadd.s32 $0x1, s15;
	[sflag:s11] =	ssyncset.done $0x0  }
0x31: {  	p0 =	sne.s32 s15, s5;
	[sflag:s11] =	ssyncadd.s32 $0xFFFFFF80  }
.Ltmp1:
0x32: {  	[bflag:$0x0] =	sbarrier.arrive $0xFFFF;
	(pc) =	sbr.rel @p0 .LBB2_1-.Ltmp1, $4  }
0x33: {  	[hbm:s8], [sflag:s7] =	dma.local [spmem:s10], $0x50  }
0x34: {  	_ =	swait.ge [sflag:s11], $0x50  }
0x35: {  	[sflag:s11] =	ssyncset.done $0x0  }
0x36: {  	[sflag:s11] =	ssyncadd.s32 $0xFFFFFFB0  }
0x37: {  	_ =	sfence.sel $0x180000  }
0x38: {  	[bflag:$0x0] =	sbarrier.arrive $0xFFFF  }
0x39: {  	p0 =	sne.s32 s3, $0x0;
	_ =	strace $0x90000047  }
0x3a: {  	s0 =	sadd.s32 @!p0 $0x100000, s0;
	[bflag:$0x2] =	sbarrier.arrive $0xFFFF  }
0x3b: {  	[sflag:s0] =	ssyncadd.tile.s32 @!p0 $0x1;
	_ =	shalt  }
.Lfunc_end2:
_tile_overlayer_lowered:
.L_overlay_start_2:
0x3c: {  	(tag) =	ssettag $0x2  }
0x3d: {  	s0 =	rddreg [dreg:$0x0];
	s2 =	stileid.u32  }
0x3e: {  	s1 =	rddreg [dreg:$0x1];
	p0 =	sne.s32 s2, $0x0  }
0x3f: {  	s3 =	rddreg [dreg:$0x2];
	[bflag:$0x3] =	sbarrier.arrive $0xFFFF;
	s2 =	simm.s32 @!p0 $0x1C01  }
0x40: {  	[timem:s3], [sflag:s2] =	dma.local @!p0 [hbm:s0], s1  }
0x41: {  	s0 =	simm.s32 @!p0 $0x1  }
0x42: {  	_ =	swait.ge @!p0 [sflag:s0], s1  }
0x43: {  	s1 =	ssub.s32 @!p0 $0x0, s1;
	[sflag:s0] =	ssyncset.done @!p0 $0x0  }
0x44: {  	[sflag:s0] =	ssyncadd.s32 @!p0 s1  }
0x45: {  	[bflag:$0x3] =	sbarrier.arrive $0xFFFF  }
0x46: {  	_ =	shalt  }

</sc_bundles>
